<compile_context>
chip_gen: v7x
topology: tpu7x:2x2x1
jax: 0.10.2.dev20260603
libtpu: 0.0.44.dev20260713+nightly
codegen_flags: <defaults>
</compile_context>

<pallas_src>
import functools

import numpy as np
import jax
import jax.numpy as jnp
from jax import lax
from jax.experimental import pallas as pl
from jax.experimental.pallas import tpu as pltpu
from jax.experimental.pallas import tpu_sc as plsc

B, T, V, H = 4, 12, 256, 64
NPG = T * V
E = 98304
M = B * V * H
ROWW = B * H

NC, NS = 2, 16
EPC = E // NC
CH = 512

_F = np.fft.fft(np.eye(H), axis=0)
_CRT = np.ascontiguousarray(_F.real.T, dtype=np.float32)
_CIT = np.ascontiguousarray(_F.imag.T, dtype=np.float32)
_ART = np.ascontiguousarray(np.fft.irfft(np.eye(T), n=T, axis=-1).T, dtype=np.float32)
_AIT = np.ascontiguousarray(np.fft.irfft(1j * np.eye(T), n=T, axis=-1).T, dtype=np.float32)


def _dft_body(z_ref, crt_ref, cit_ref, zr_ref, zi_ref):
    z = z_ref[...]
    zr_ref[...] = jnp.dot(z, crt_ref[...], preferred_element_type=jnp.float32)
    zi_ref[...] = jnp.dot(z, cit_ref[...], preferred_element_type=jnp.float32)


def _dft(z):
    n = B * T * V
    g = 8
    blk = n // g
    return pl.pallas_call(
        _dft_body,
        grid=(g,),
        in_specs=[
            pl.BlockSpec((blk, H), lambda i: (i, 0)),
            pl.BlockSpec((H, H), lambda i: (0, 0)),
            pl.BlockSpec((H, H), lambda i: (0, 0)),
        ],
        out_specs=[
            pl.BlockSpec((blk, H), lambda i: (i, 0)),
            pl.BlockSpec((blk, H), lambda i: (i, 0)),
        ],
        out_shape=[
            jax.ShapeDtypeStruct((n, H), jnp.float32),
            jax.ShapeDtypeStruct((n, H), jnp.float32),
        ],
    )(z, _CRT, _CIT)


def _bd4(m):
    return jnp.kron(jnp.eye(B, dtype=m.dtype), m)


def _glu_body(xr_ref, xi_ref, art_ref, ait_ref, *wrefs):
    out_ref = wrefs[-1]
    wrefs = wrefs[:-1]
    streams = []
    for si, xref in enumerate((xr_ref, xi_ref)):
        x = xref[...]
        for li in range(3):
            base = si * 12 + li * 4
            wlt, bl, wrt, br = (wrefs[base + k][...] for k in range(4))
            left = jnp.dot(wlt, x, preferred_element_type=jnp.float32) + bl
            right = jnp.dot(wrt, x, preferred_element_type=jnp.float32) + br
            x = left * (1.0 / (1.0 + jnp.exp(-right)))
        streams.append(x)
    out_ref[...] = (jnp.dot(art_ref[...], streams[0], preferred_element_type=jnp.float32)
                    + jnp.dot(ait_ref[...], streams[1], preferred_element_type=jnp.float32))


def _glu_stage(xr, xi, params):
    warrs = []
    wspecs = []
    for stream in ("real", "img"):
        for p in params[stream]:
            for nm in ("wl", "wr"):
                wt = _bd4(p[nm].T)
                warrs.append(wt)
                wspecs.append(pl.BlockSpec(wt.shape, lambda i: (0, 0)))
                bt = jnp.tile(p["b" + nm[1]], B).reshape(-1, 1)
                warrs.append(bt)
                wspecs.append(pl.BlockSpec(bt.shape, lambda i: (0, 0)))
    vh = V * H
    g = 4
    nb = vh // g
    art4 = np.kron(np.eye(B, dtype=np.float32), _ART)
    ait4 = np.kron(np.eye(B, dtype=np.float32), _AIT)
    bt48 = B * T
    return pl.pallas_call(
        _glu_body,
        grid=(g,),
        in_specs=[
            pl.BlockSpec((bt48, nb), lambda i: (0, i)),
            pl.BlockSpec((bt48, nb), lambda i: (0, i)),
            pl.BlockSpec((bt48, bt48), lambda i: (0, 0)),
            pl.BlockSpec((bt48, bt48), lambda i: (0, 0)),
        ] + wspecs,
        out_specs=pl.BlockSpec((bt48, nb), lambda i: (0, i)),
        out_shape=jax.ShapeDtypeStruct((bt48, vh), jnp.float32),
    )(xr, xi, art4, ait4, *warrs)


def _graph_body(table_hbm, src_hbm, dst_hbm, w_hbm, out_hbm,
                tbl_v, src_s, dst_s, w_c, acc_v, src_sh, dst_sh, w_sh):
    c = lax.axis_index("c")
    s = lax.axis_index("s")
    b = s // (H // 16)
    hs = s % (H // 16)

    @pl.when(s == 0)
    def _():
        pltpu.sync_copy(src_hbm.at[pl.ds(c * EPC, EPC)], src_sh)
        pltpu.sync_copy(dst_hbm.at[pl.ds(c * EPC, EPC)], dst_sh)

    @pl.when(s == 1)
    def _():
        pltpu.sync_copy(w_hbm.at[pl.ds(c * EPC, EPC)], w_sh)

    pltpu.sync_copy(table_hbm.at[s], tbl_v)
    plsc.subcore_barrier()

    def zrow(r, carry):
        acc_v[r, :] = jnp.zeros((16,), jnp.float32)
        return carry
    lax.fori_loop(0, NPG, zrow, 0)

    def chunk(k, carry):
        base = k * CH
        pltpu.sync_copy(src_sh.at[pl.ds(base, CH)], src_s)
        pltpu.sync_copy(dst_sh.at[pl.ds(base, CH)], dst_s)
        pltpu.sync_copy(w_sh.at[pl.ds(base, CH)], w_c)

        @plsc.parallel_loop(0, CH // 16, 1, unroll=2)
        def grp(g):
            w16 = w_c[pl.ds(g * 16, 16)]
            for i in range(16):
                e = g * 16 + i
                val = tbl_v[src_s[e], :]
                wspl = w16[jnp.full((16,), i, jnp.int32)]
                plsc.addupdate(acc_v.at[dst_s[e]], val * wspl)
        return carry
    lax.fori_loop(0, EPC // CH, chunk, 0)

    pltpu.sync_copy(acc_v, out_hbm.at[c, b, slice(None), pl.ds(hs * 16, 16)])


def _graph(table16, src1, dst1, w1):
    mesh = plsc.VectorSubcoreMesh(core_axis_name="c", subcore_axis_name="s")
    k = functools.partial(
        pl.kernel,
        mesh=mesh,
        compiler_params=pltpu.CompilerParams(
            use_tc_tiling_on_sc=False, needs_layout_passes=False),
        out_type=jax.ShapeDtypeStruct((NC, B, NPG, H), jnp.float32),
        scratch_types=[
            pltpu.VMEM((NPG, 16), jnp.float32),
            pltpu.SMEM((CH,), jnp.int32),
            pltpu.SMEM((CH,), jnp.int32),
            pltpu.VMEM((CH,), jnp.float32),
            pltpu.VMEM((NPG, 16), jnp.float32),
            pltpu.VMEM_SHARED((EPC,), jnp.int32),
            pltpu.VMEM_SHARED((EPC,), jnp.int32),
            pltpu.VMEM_SHARED((EPC,), jnp.float32),
        ],
    )(_graph_body)
    return k(table16, src1, dst1, w1)


def _gcn_body(acc_ref, w_ref, b_ref, out_ref):
    a = acc_ref[0] + acc_ref[1]
    o = jnp.dot(a, w_ref[...], preferred_element_type=jnp.float32) + b_ref[...]
    out_ref[...] = jnp.where(o >= 0, o, 0.01 * o)


def _gcn(acc, w, b):
    n = B * T * V // 2
    g = 8
    blk = n // g
    w2 = jnp.kron(jnp.eye(2, dtype=jnp.float32), w)
    b2 = jnp.tile(b, 2).reshape(1, 2 * H)
    return pl.pallas_call(
        _gcn_body,
        grid=(g,),
        in_specs=[
            pl.BlockSpec((2, blk, 2 * H), lambda i: (0, i, 0)),
            pl.BlockSpec((2 * H, 2 * H), lambda i: (0, 0)),
            pl.BlockSpec((1, 2 * H), lambda i: (0, 0)),
        ],
        out_specs=pl.BlockSpec((blk, 2 * H), lambda i: (i, 0)),
        out_shape=jax.ShapeDtypeStruct((n, 2 * H), jnp.float32),
    )(acc, w2, b2)


def kernel(x, params, edge_weight, edge_index):
    zr, zi = _dft(x.reshape(B * T * V, H))
    xr = zr.reshape(B * T, V * H)
    xi = zi.reshape(B * T, V * H)
    out_t = _glu_stage(xr, xi, params)
    table16 = (out_t.reshape(B, NPG, 4, 16).transpose(0, 2, 1, 3)
               .reshape(NS, NPG, 16))
    acc = _graph(table16, edge_index[0], edge_index[1], edge_weight)
    accr = acc.reshape(NC, B * T * V // 2, 2 * H)
    out = _gcn(accr, params["gcn_w"], params["gcn_b"])
    return out.reshape(B, T, V, H)

# --- scband reference (transcript-rebuilt; emitter-appended) ---
"""Pipeline reference for scband-fourier-forecast-52252572123396 (READ-ONLY COPY).

The authoritative reference and input builder live on the scoring server;
editing this copy changes nothing except your own understanding.
"""

import jax, jax.numpy as jnp
import numpy as np

B, T, V, H = 4, 12, 256, 64
NPG = T * V
E = 98304

def _glu_params(key, in_ch, out_ch):
    k1, k2, k3, k4 = jax.random.split(key, 4)
    s = 1.0 / np.sqrt(in_ch)
    return {"wl": jax.random.uniform(k1, (in_ch, out_ch), jnp.float32, -s, s),
            "bl": jax.random.uniform(k2, (out_ch,), jnp.float32, -s, s),
            "wr": jax.random.uniform(k3, (in_ch, out_ch), jnp.float32, -s, s),
            "br": jax.random.uniform(k4, (out_ch,), jnp.float32, -s, s)}

def setup_inputs(seed: int = 0):
    key = jax.random.key(seed)
    ks = jax.random.split(key, 12)
    x = jax.random.normal(ks[0], (B, T, V, H), dtype=jnp.float32)
    edge_index = jax.random.randint(ks[1], (2, E), 0, NPG, dtype=jnp.int32)
    edge_weight = jax.random.uniform(ks[2], (E,), dtype=jnp.float32)
    dims = [(12, 60), (60, 60), (60, 12)]
    real_ps = [_glu_params(jax.random.fold_in(ks[3], i), a, b) for i, (a, b) in enumerate(dims)]
    img_ps = [_glu_params(jax.random.fold_in(ks[4], i), a, b) for i, (a, b) in enumerate(dims)]
    sg = 1.0 / np.sqrt(H)
    gcn_w = jax.random.uniform(ks[5], (H, H), jnp.float32, -sg, sg)
    gcn_b = jax.random.uniform(ks[6], (H,), jnp.float32, -sg, sg)
    params = {"real": real_ps, "img": img_ps, "gcn_w": gcn_w, "gcn_b": gcn_b}
    return {"x": x, "params": params, "edge_weight": edge_weight, "edge_index": edge_index}

def _glu(a, p):
    return (a @ p["wl"] + p["bl"]) * jax.nn.sigmoid(a @ p["wr"] + p["br"])

def _forward(x, params, edge_weight, edge_index):
    # TemporalMap: FFT over hidden axis (after transpose(1,3)), GLU stacks on time axis
    xt = jnp.transpose(x, (0, 3, 2, 1))  # [B, H, V, T]
    xf = jnp.fft.fft(xt, axis=1)
    real, img = xf.real, xf.imag
    for p in params["real"]:
        real = _glu(real, p)
    for p in params["img"]:
        img = _glu(img, p)
    comp = real + 1j * img
    xr = jnp.fft.irfft(comp, n=T, axis=-1)  # one-sided irfft like torch
    x2 = jnp.transpose(xr, (0, 3, 2, 1))  # [B, T, V, H]
    # stack_graphs: replicate graph per batch element with node offsets
    nodes = x2.reshape(B * T * V, H)
    offsets = jnp.arange(B, dtype=edge_index.dtype) * NPG
    src = (edge_index[0][None, :] + offsets[:, None]).reshape(-1)
    dst = (edge_index[1][None, :] + offsets[:, None]).reshape(-1)
    ew = jnp.tile(edge_weight, B)
    # GCN layer: weighted gather -> scatter-add -> linear
    msg = jnp.take(nodes, src, axis=0) * ew[:, None]
    agg = jax.ops.segment_sum(msg, dst, num_segments=B * T * V)
    out = jax.nn.leaky_relu(agg @ params["gcn_w"] + params["gcn_b"])
    return out.reshape(B, T, V, H)

def reference(x, params, edge_weight, edge_index):
    return _forward(x, params, edge_weight, edge_index)

if __name__ == "__main__":
    import jax
    _d = setup_inputs()
    print(jax.jit(kernel)(*tuple(_d.values())))

</pallas_src>

<mosaic_0001>
#map = affine_map<(d0, d1) -> (0, 0, 0)>
#map1 = affine_map<(d0, d1) -> (0)>
#map2 = affine_map<(d0, d1) -> (0, 0, 0, 0)>
module attributes {stable_mosaic.version = 14 : i64} {
  func.func @_graph_body(%arg0: i32, %arg1: i32, %arg2: memref<16x3072x16xf32, #tpu.memory_space<hbm>>, %arg3: memref<98304xi32, #tpu.memory_space<hbm>>, %arg4: memref<98304xi32, #tpu.memory_space<hbm>>, %arg5: memref<98304xf32, #tpu.memory_space<hbm>>, %arg6: memref<2x4x3072x64xf32, #tpu.memory_space<hbm>>, %arg7: memref<3072x16xf32, #tpu.memory_space<vmem>>, %arg8: memref<512xi32, #tpu.memory_space<smem>>, %arg9: memref<512xi32, #tpu.memory_space<smem>>, %arg10: memref<512xf32, #tpu.memory_space<vmem>>, %arg11: memref<3072x16xf32, #tpu.memory_space<vmem>>, %arg12: memref<49152xi32, #tpu.memory_space<vmem_shared>>, %arg13: memref<49152xi32, #tpu.memory_space<vmem_shared>>, %arg14: memref<49152xf32, #tpu.memory_space<vmem_shared>>) attributes {dimension_semantics = [#tpu.dimension_semantics<core_parallel>, #tpu.dimension_semantics<subcore_parallel>], iteration_bounds = array<i64: 2, 16>, scalar_prefetch = 0 : i64, scratch_operands = 8 : i64, tpu.core_type = #tpu.core_type<sc_vector_subcore>, window_params = [{transform_indices = #map}, {transform_indices = #map1}, {transform_indices = #map1}, {transform_indices = #map1}, {transform_indices = #map2}]} {
    %jit3A = arith.constant 4 : i32
    %div3A = arith.divsi %arg1, %jit3A : i32
    %sign3A = arith.constant 0 : i32
    %sign3A_0 = arith.cmpi sgt, %arg1, %sign3A : i32
    %sign3A_1 = arith.extui %sign3A_0 : i1 to i32
    %sign3A_2 = arith.constant 0 : i32
    %sign3A_3 = arith.cmpi slt, %arg1, %sign3A_2 : i32
    %sign3A_4 = arith.extui %sign3A_3 : i1 to i32
    %sign3A_5 = arith.subi %sign3A_1, %sign3A_4 : i32
    %sign3A_6 = arith.constant 0 : i32
    %sign3A_7 = arith.cmpi sgt, %jit3A, %sign3A_6 : i32
    %sign3A_8 = arith.extui %sign3A_7 : i1 to i32
    %sign3A_9 = arith.constant 0 : i32
    %sign3A_10 = arith.cmpi slt, %jit3A, %sign3A_9 : i32
    %sign3A_11 = arith.extui %sign3A_10 : i1 to i32
    %sign3A_12 = arith.subi %sign3A_8, %sign3A_11 : i32
    %ne3A = arith.cmpi ne, %sign3A_5, %sign3A_12 : i32
    %rem3A = arith.remsi %arg1, %jit3A : i32
    %ne3A_13 = arith.constant 0 : i32
    %ne3A_14 = arith.cmpi ne, %rem3A, %ne3A_13 : i32
    %and3A = arith.andi %ne3A, %ne3A_14 : i1
    %sub3A = arith.constant 1 : i32
    %sub3A_15 = arith.subi %div3A, %sub3A : i32
    %select_n3A = arith.select %and3A, %sub3A_15, %div3A : i32
    %jit3A_16 = arith.constant 4 : i32
    %eq3A = arith.constant 0 : i32
    %eq3A_17 = arith.cmpi eq, %jit3A_16, %eq3A : i32
    %jit3A_18 = arith.constant 1 : i32
    %select_n3A_19 = arith.select %eq3A_17, %jit3A_18, %jit3A_16 : i32
    %rem3A_20 = arith.remsi %arg1, %select_n3A_19 : i32
    %ne3A_21 = arith.constant 0 : i32
    %ne3A_22 = arith.cmpi ne, %rem3A_20, %ne3A_21 : i32
    %lt3A = arith.constant 0 : i32
    %lt3A_23 = arith.cmpi slt, %rem3A_20, %lt3A : i32
    %lt3A_24 = arith.constant 0 : i32
    %lt3A_25 = arith.cmpi slt, %select_n3A_19, %lt3A_24 : i32
    %ne3A_26 = arith.xori %lt3A_23, %lt3A_25 : i1
    %and3A_27 = arith.andi %ne3A_26, %ne3A_22 : i1
    %add3A = arith.addi %rem3A_20, %select_n3A_19 : i32
    %select_n3A_28 = arith.select %and3A_27, %add3A, %rem3A_20 : i32
    %eq3A_29 = arith.constant 0 : i32
    %eq3A_30 = arith.cmpi eq, %arg1, %eq3A_29 : i32
    %convert_element_type3A = arith.extui %eq3A_30 : i1 to i32
    %cond3A = arith.constant 0 : i32
    %cond3A_31 = arith.cmpi ne, %convert_element_type3A, %cond3A : i32
    scf.if %cond3A_31 {
      %mul3A_49 = arith.constant 49152 : i32
      %mul3A_50 = arith.muli %arg0, %mul3A_49 : i32
      "tpu.region"() ({
        %run_scoped3A = tpu.sem_alloc : memref<!tpu.dma_semaphore, #tpu.memory_space<semaphore_mem>>
        %dma_start3A = tpu.memref_slice %arg3[%mul3A_50] : memref<98304xi32, #tpu.memory_space<hbm>> -> memref<49152xi32, #tpu.memory_space<hbm>>
        tpu.enqueue_dma source(%dma_start3A : memref<49152xi32, #tpu.memory_space<hbm>>) target(%arg12 : memref<49152xi32, #tpu.memory_space<vmem_shared>>) target_semaphore(%run_scoped3A : memref<!tpu.dma_semaphore, #tpu.memory_space<semaphore_mem>>)
        %dma_wait3A = tpu.memref_slice %arg3[%mul3A_50] : memref<98304xi32, #tpu.memory_space<hbm>> -> memref<49152xi32, #tpu.memory_space<hbm>>
        tpu.wait_dma2 semaphore(%run_scoped3A : memref<!tpu.dma_semaphore, #tpu.memory_space<semaphore_mem>>) src(%dma_wait3A : memref<49152xi32, #tpu.memory_space<hbm>>) dst(%arg12 : memref<49152xi32, #tpu.memory_space<vmem_shared>>)
        tpu.yield
      }) : () -> ()
      %mul3A_51 = arith.constant 49152 : i32
      %mul3A_52 = arith.muli %arg0, %mul3A_51 : i32
      "tpu.region"() ({
        %run_scoped3A = tpu.sem_alloc : memref<!tpu.dma_semaphore, #tpu.memory_space<semaphore_mem>>
        %dma_start3A = tpu.memref_slice %arg4[%mul3A_52] : memref<98304xi32, #tpu.memory_space<hbm>> -> memref<49152xi32, #tpu.memory_space<hbm>>
        tpu.enqueue_dma source(%dma_start3A : memref<49152xi32, #tpu.memory_space<hbm>>) target(%arg13 : memref<49152xi32, #tpu.memory_space<vmem_shared>>) target_semaphore(%run_scoped3A : memref<!tpu.dma_semaphore, #tpu.memory_space<semaphore_mem>>)
        %dma_wait3A = tpu.memref_slice %arg4[%mul3A_52] : memref<98304xi32, #tpu.memory_space<hbm>> -> memref<49152xi32, #tpu.memory_space<hbm>>
        tpu.wait_dma2 semaphore(%run_scoped3A : memref<!tpu.dma_semaphore, #tpu.memory_space<semaphore_mem>>) src(%dma_wait3A : memref<49152xi32, #tpu.memory_space<hbm>>) dst(%arg13 : memref<49152xi32, #tpu.memory_space<vmem_shared>>)
        tpu.yield
      }) : () -> ()
    } else {
    }
    %eq3A_32 = arith.constant 1 : i32
    %eq3A_33 = arith.cmpi eq, %arg1, %eq3A_32 : i32
    %convert_element_type3A_34 = arith.extui %eq3A_33 : i1 to i32
    %cond3A_35 = arith.constant 0 : i32
    %cond3A_36 = arith.cmpi ne, %convert_element_type3A_34, %cond3A_35 : i32
    scf.if %cond3A_36 {
      %mul3A_49 = arith.constant 49152 : i32
      %mul3A_50 = arith.muli %arg0, %mul3A_49 : i32
      "tpu.region"() ({
        %run_scoped3A = tpu.sem_alloc : memref<!tpu.dma_semaphore, #tpu.memory_space<semaphore_mem>>
        %dma_start3A = tpu.memref_slice %arg5[%mul3A_50] : memref<98304xf32, #tpu.memory_space<hbm>> -> memref<49152xf32, #tpu.memory_space<hbm>>
        tpu.enqueue_dma source(%dma_start3A : memref<49152xf32, #tpu.memory_space<hbm>>) target(%arg14 : memref<49152xf32, #tpu.memory_space<vmem_shared>>) target_semaphore(%run_scoped3A : memref<!tpu.dma_semaphore, #tpu.memory_space<semaphore_mem>>)
        %dma_wait3A = tpu.memref_slice %arg5[%mul3A_50] : memref<98304xf32, #tpu.memory_space<hbm>> -> memref<49152xf32, #tpu.memory_space<hbm>>
        tpu.wait_dma2 semaphore(%run_scoped3A : memref<!tpu.dma_semaphore, #tpu.memory_space<semaphore_mem>>) src(%dma_wait3A : memref<49152xf32, #tpu.memory_space<hbm>>) dst(%arg14 : memref<49152xf32, #tpu.memory_space<vmem_shared>>)
        tpu.yield
      }) : () -> ()
    } else {
    }
    "tpu.region"() ({
      %run_scoped3A = tpu.sem_alloc : memref<!tpu.dma_semaphore, #tpu.memory_space<semaphore_mem>>
      %dma_start3A = arith.constant 0 : i32
      %dma_start3A_49 = arith.constant 0 : i32
      %dma_start3A_50 = tpu.memref_slice %arg2[%arg1, %dma_start3A, %dma_start3A_49] : memref<16x3072x16xf32, #tpu.memory_space<hbm>> -> memref<1x3072x16xf32, #tpu.memory_space<hbm>>
      %dma_start3A_51 = tpu.memref_squeeze %dma_start3A_50 : memref<1x3072x16xf32, #tpu.memory_space<hbm>> -> memref<3072x16xf32, #tpu.memory_space<hbm>>
      %dma_start3A_52 = arith.constant 0 : i32
      %dma_start3A_53 = arith.constant 0 : i32
      %dma_start3A_54 = tpu.memref_slice %arg2[%arg1, %dma_start3A_52, %dma_start3A_53] : memref<16x3072x16xf32, #tpu.memory_space<hbm>> -> memref<1x3072x16xf32, #tpu.memory_space<hbm>>
      %dma_start3A_55 = tpu.memref_squeeze %dma_start3A_54 : memref<1x3072x16xf32, #tpu.memory_space<hbm>> -> memref<3072x16xf32, #tpu.memory_space<hbm>>
      tpu.enqueue_dma source(%dma_start3A_55 : memref<3072x16xf32, #tpu.memory_space<hbm>>) target(%arg7 : memref<3072x16xf32, #tpu.memory_space<vmem>>) target_semaphore(%run_scoped3A : memref<!tpu.dma_semaphore, #tpu.memory_space<semaphore_mem>>)
      %dma_wait3A = arith.constant 0 : i32
      %dma_wait3A_56 = arith.constant 0 : i32
      %dma_wait3A_57 = tpu.memref_slice %arg2[%arg1, %dma_wait3A, %dma_wait3A_56] : memref<16x3072x16xf32, #tpu.memory_space<hbm>> -> memref<1x3072x16xf32, #tpu.memory_space<hbm>>
      %dma_wait3A_58 = tpu.memref_squeeze %dma_wait3A_57 : memref<1x3072x16xf32, #tpu.memory_space<hbm>> -> memref<3072x16xf32, #tpu.memory_space<hbm>>
      %dma_wait3A_59 = arith.constant 0 : i32
      %dma_wait3A_60 = arith.constant 0 : i32
      %dma_wait3A_61 = tpu.memref_slice %arg2[%arg1, %dma_wait3A_59, %dma_wait3A_60] : memref<16x3072x16xf32, #tpu.memory_space<hbm>> -> memref<1x3072x16xf32, #tpu.memory_space<hbm>>
      %dma_wait3A_62 = tpu.memref_squeeze %dma_wait3A_61 : memref<1x3072x16xf32, #tpu.memory_space<hbm>> -> memref<3072x16xf32, #tpu.memory_space<hbm>>
      tpu.wait_dma2 semaphore(%run_scoped3A : memref<!tpu.dma_semaphore, #tpu.memory_space<semaphore_mem>>) src(%dma_wait3A_62 : memref<3072x16xf32, #tpu.memory_space<hbm>>) dst(%arg7 : memref<3072x16xf32, #tpu.memory_space<vmem>>)
      tpu.yield
    }) : () -> ()
    %barrier3A = arith.constant 0 : index
    tpu.barrier barrier_id(%barrier3A)
    %scan3A = arith.constant 0 : i32
    %scan3A_37 = arith.constant 0 : i32
    %scan3A_38 = arith.constant 3072 : i32
    %scan3A_39 = arith.addi %scan3A_37, %scan3A_38 : i32
    %scan3A_40 = arith.constant 1 : i32
    scf.for %scan3A_49 = %scan3A_37 to %scan3A_39 step %scan3A_40  : i32 {
      %broadcast_in_dim3A = arith.constant 0.000000e+00 : f32
      %broadcast_in_dim3A_50 = vector.broadcast %broadcast_in_dim3A : f32 to vector<16xf32>
      %swap3A = arith.index_cast %scan3A_49 : i32 to index
      %swap3A_51 = arith.constant 0 : index
      %swap3A_52 = tpu.vector_load %arg11[%swap3A, %swap3A_51] {strides = array<i32>} : memref<3072x16xf32, #tpu.memory_space<vmem>>, vector<16xf32>,
      tpu.vector_store %arg11[%swap3A, %swap3A_51], %broadcast_in_dim3A_50 {strides = array<i32>} : memref<3072x16xf32, #tpu.memory_space<vmem>>, vector<16xf32>,
    }
    %scan3A_41 = arith.constant 3072 : i32
    %scan3A_42 = arith.constant 0 : i32
    %scan3A_43 = arith.constant 0 : i32
    %scan3A_44 = arith.constant 96 : i32
    %scan3A_45 = arith.addi %scan3A_43, %scan3A_44 : i32
    %scan3A_46 = arith.constant 1 : i32
    scf.for %scan3A_49 = %scan3A_43 to %scan3A_45 step %scan3A_46  : i32 {
      %mul3A_50 = arith.constant 512 : i32
      %mul3A_51 = arith.muli %scan3A_49, %mul3A_50 : i32
      "tpu.region"() ({
        %run_scoped3A = tpu.sem_alloc : memref<!tpu.dma_semaphore, #tpu.memory_space<semaphore_mem>>
        %dma_start3A = tpu.memref_slice %arg12[%mul3A_51] : memref<49152xi32, #tpu.memory_space<vmem_shared>> -> memref<512xi32, #tpu.memory_space<vmem_shared>>
        tpu.enqueue_dma source(%dma_start3A : memref<512xi32, #tpu.memory_space<vmem_shared>>) target(%arg8 : memref<512xi32, #tpu.memory_space<smem>>) target_semaphore(%run_scoped3A : memref<!tpu.dma_semaphore, #tpu.memory_space<semaphore_mem>>)
        %dma_wait3A = tpu.memref_slice %arg12[%mul3A_51] : memref<49152xi32, #tpu.memory_space<vmem_shared>> -> memref<512xi32, #tpu.memory_space<vmem_shared>>
        tpu.wait_dma2 semaphore(%run_scoped3A : memref<!tpu.dma_semaphore, #tpu.memory_space<semaphore_mem>>) src(%dma_wait3A : memref<512xi32, #tpu.memory_space<vmem_shared>>) dst(%arg8 : memref<512xi32, #tpu.memory_space<smem>>)
        tpu.yield
      }) : () -> ()
      "tpu.region"() ({
        %run_scoped3A = tpu.sem_alloc : memref<!tpu.dma_semaphore, #tpu.memory_space<semaphore_mem>>
        %dma_start3A = tpu.memref_slice %arg13[%mul3A_51] : memref<49152xi32, #tpu.memory_space<vmem_shared>> -> memref<512xi32, #tpu.memory_space<vmem_shared>>
        tpu.enqueue_dma source(%dma_start3A : memref<512xi32, #tpu.memory_space<vmem_shared>>) target(%arg9 : memref<512xi32, #tpu.memory_space<smem>>) target_semaphore(%run_scoped3A : memref<!tpu.dma_semaphore, #tpu.memory_space<semaphore_mem>>)
        %dma_wait3A = tpu.memref_slice %arg13[%mul3A_51] : memref<49152xi32, #tpu.memory_space<vmem_shared>> -> memref<512xi32, #tpu.memory_space<vmem_shared>>
        tpu.wait_dma2 semaphore(%run_scoped3A : memref<!tpu.dma_semaphore, #tpu.memory_space<semaphore_mem>>) src(%dma_wait3A : memref<512xi32, #tpu.memory_space<vmem_shared>>) dst(%arg9 : memref<512xi32, #tpu.memory_space<smem>>)
        tpu.yield
      }) : () -> ()
      "tpu.region"() ({
        %run_scoped3A = tpu.sem_alloc : memref<!tpu.dma_semaphore, #tpu.memory_space<semaphore_mem>>
        %dma_start3A = tpu.memref_slice %arg14[%mul3A_51] : memref<49152xf32, #tpu.memory_space<vmem_shared>> -> memref<512xf32, #tpu.memory_space<vmem_shared>>
        %dma_start3A_54 = tpu.memref_slice %arg14[%mul3A_51] : memref<49152xf32, #tpu.memory_space<vmem_shared>> -> memref<512xf32, #tpu.memory_space<vmem_shared>>
        tpu.enqueue_dma source(%dma_start3A_54 : memref<512xf32, #tpu.memory_space<vmem_shared>>) target(%arg10 : memref<512xf32, #tpu.memory_space<vmem>>) target_semaphore(%run_scoped3A : memref<!tpu.dma_semaphore, #tpu.memory_space<semaphore_mem>>)
        %dma_wait3A = tpu.memref_slice %arg14[%mul3A_51] : memref<49152xf32, #tpu.memory_space<vmem_shared>> -> memref<512xf32, #tpu.memory_space<vmem_shared>>
        %dma_wait3A_55 = tpu.memref_slice %arg14[%mul3A_51] : memref<49152xf32, #tpu.memory_space<vmem_shared>> -> memref<512xf32, #tpu.memory_space<vmem_shared>>
        tpu.wait_dma2 semaphore(%run_scoped3A : memref<!tpu.dma_semaphore, #tpu.memory_space<semaphore_mem>>) src(%dma_wait3A_55 : memref<512xf32, #tpu.memory_space<vmem_shared>>) dst(%arg10 : memref<512xf32, #tpu.memory_space<vmem>>)
        tpu.yield
      }) : () -> ()
      %parallel_loop3A = arith.constant 0 : i32
      %parallel_loop3A_52 = arith.constant 32 : i32
      %parallel_loop3A_53 = arith.constant 1 : i32
      scf.for %parallel_loop3A_54 = %parallel_loop3A to %parallel_loop3A_52 step %parallel_loop3A_53  : i32 {
        %parallel_loop3A_55 = arith.constant 16 : i32
        %parallel_loop3A_56 = arith.muli %parallel_loop3A_54, %parallel_loop3A_55 : i32
        %parallel_loop3A_57 = arith.index_cast %parallel_loop3A_56 : i32 to index
        %parallel_loop3A_58 = tpu.vector_load %arg10[%parallel_loop3A_57] {strides = array<i32>} : memref<512xf32, #tpu.memory_space<vmem>>, vector<16xf32>,
        %parallel_loop3A_59 = arith.constant 16 : i32
        %parallel_loop3A_60 = arith.muli %parallel_loop3A_54, %parallel_loop3A_59 : i32
        %parallel_loop3A_61 = arith.constant 0 : i32
        %parallel_loop3A_62 = arith.addi %parallel_loop3A_60, %parallel_loop3A_61 : i32
        %parallel_loop3A_63 = arith.index_cast %parallel_loop3A_62 : i32 to index
        %parallel_loop3A_64 = memref.load %arg8[%parallel_loop3A_63] : memref<512xi32, #tpu.memory_space<smem>>
        %parallel_loop3A_65 = arith.index_cast %parallel_loop3A_64 : i32 to index
        %parallel_loop3A_66 = arith.constant 0 : index
        %parallel_loop3A_67 = tpu.vector_load %arg7[%parallel_loop3A_65, %parallel_loop3A_66] {strides = array<i32>} : memref<3072x16xf32, #tpu.memory_space<vmem>>, vector<16xf32>,
        %parallel_loop3A_68 = arith.constant 0 : i32
        %parallel_loop3A_69 = vector.broadcast %parallel_loop3A_68 : i32 to vector<16xi32>
        %parallel_loop3A_70 = arith.constant 0 : i32
        %parallel_loop3A_71 = vector.broadcast %parallel_loop3A_70 : i32 to vector<16xi32>
        %parallel_loop3A_72 = arith.cmpi slt, %parallel_loop3A_69, %parallel_loop3A_71 : vector<16xi32>
        %parallel_loop3A_73 = arith.constant 16 : i32
        %parallel_loop3A_74 = vector.broadcast %parallel_loop3A_73 : i32 to vector<16xi32>
        %parallel_loop3A_75 = arith.addi %parallel_loop3A_69, %parallel_loop3A_74 : vector<16xi32>
        %parallel_loop3A_76 = arith.select %parallel_loop3A_72, %parallel_loop3A_75, %parallel_loop3A_69 : vector<16xi1>, vector<16xi32>
        %parallel_loop3A_77 = vector.shape_cast %parallel_loop3A_76 : vector<16xi32> to vector<16x1xi32>
        %parallel_loop3A_78 = vector.shape_cast %parallel_loop3A_77 : vector<16x1xi32> to vector<16xi32>
        %parallel_loop3A_79 = tpu.dynamic_gather %parallel_loop3A_58[%parallel_loop3A_78] in [0] : vector<16xf32>, vector<16xi32> -> vector<16xf32>
        %parallel_loop3A_80 = arith.index_cast %parallel_loop3A_62 : i32 to index
        %parallel_loop3A_81 = memref.load %arg9[%parallel_loop3A_80] : memref<512xi32, #tpu.memory_space<smem>>
        %parallel_loop3A_82 = arith.mulf %parallel_loop3A_67, %parallel_loop3A_79 : vector<16xf32>
        %parallel_loop3A_83 = arith.index_cast %parallel_loop3A_81 : i32 to index
        %parallel_loop3A_84 = arith.constant 0 : index
        %parallel_loop3A_85 = tpu.vector_load %arg11[%parallel_loop3A_83, %parallel_loop3A_84] {strides = array<i32>} : memref<3072x16xf32, #tpu.memory_space<vmem>>, vector<16xf32>,
        tpu.vector_store %arg11[%parallel_loop3A_83, %parallel_loop3A_84], %parallel_loop3A_82 {add = true, strides = array<i32>} : memref<3072x16xf32, #tpu.memory_space<vmem>>, vector<16xf32>,
        %parallel_loop3A_86 = arith.constant 16 : i32
        %parallel_loop3A_87 = arith.muli %parallel_loop3A_54, %parallel_loop3A_86 : i32
        %parallel_loop3A_88 = arith.constant 1 : i32
        %parallel_loop3A_89 = arith.addi %parallel_loop3A_87, %parallel_loop3A_88 : i32
        %parallel_loop3A_90 = arith.index_cast %parallel_loop3A_89 : i32 to index
        %parallel_loop3A_91 = memref.load %arg8[%parallel_loop3A_90] : memref<512xi32, #tpu.memory_space<smem>>
        %parallel_loop3A_92 = arith.index_cast %parallel_loop3A_91 : i32 to index
        %parallel_loop3A_93 = arith.constant 0 : index
        %parallel_loop3A_94 = tpu.vector_load %arg7[%parallel_loop3A_92, %parallel_loop3A_93] {strides = array<i32>} : memref<3072x16xf32, #tpu.memory_space<vmem>>, vector<16xf32>,
        %parallel_loop3A_95 = arith.constant 1 : i32
        %parallel_loop3A_96 = vector.broadcast %parallel_loop3A_95 : i32 to vector<16xi32>
        %parallel_loop3A_97 = arith.constant 0 : i32
        %parallel_loop3A_98 = vector.broadcast %parallel_loop3A_97 : i32 to vector<16xi32>
        %parallel_loop3A_99 = arith.cmpi slt, %parallel_loop3A_96, %parallel_loop3A_98 : vector<16xi32>
        %parallel_loop3A_100 = arith.constant 16 : i32
        %parallel_loop3A_101 = vector.broadcast %parallel_loop3A_100 : i32 to vector<16xi32>
        %parallel_loop3A_102 = arith.addi %parallel_loop3A_96, %parallel_loop3A_101 : vector<16xi32>
        %parallel_loop3A_103 = arith.select %parallel_loop3A_99, %parallel_loop3A_102, %parallel_loop3A_96 : vector<16xi1>, vector<16xi32>
        %parallel_loop3A_104 = vector.shape_cast %parallel_loop3A_103 : vector<16xi32> to vector<16x1xi32>
        %parallel_loop3A_105 = vector.shape_cast %parallel_loop3A_104 : vector<16x1xi32> to vector<16xi32>
        %parallel_loop3A_106 = tpu.dynamic_gather %parallel_loop3A_58[%parallel_loop3A_105] in [0] : vector<16xf32>, vector<16xi32> -> vector<16xf32>
        %parallel_loop3A_107 = arith.index_cast %parallel_loop3A_89 : i32 to index
        %parallel_loop3A_108 = memref.load %arg9[%parallel_loop3A_107] : memref<512xi32, #tpu.memory_space<smem>>
        %parallel_loop3A_109 = arith.mulf %parallel_loop3A_94, %parallel_loop3A_106 : vector<16xf32>
        %parallel_loop3A_110 = arith.index_cast %parallel_loop3A_108 : i32 to index
        %parallel_loop3A_111 = arith.constant 0 : index
        %parallel_loop3A_112 = tpu.vector_load %arg11[%parallel_loop3A_110, %parallel_loop3A_111] {strides = array<i32>} : memref<3072x16xf32, #tpu.memory_space<vmem>>, vector<16xf32>,
        tpu.vector_store %arg11[%parallel_loop3A_110, %parallel_loop3A_111], %parallel_loop3A_109 {add = true, strides = array<i32>} : memref<3072x16xf32, #tpu.memory_space<vmem>>, vector<16xf32>,
        %parallel_loop3A_113 = arith.constant 16 : i32
        %parallel_loop3A_114 = arith.muli %parallel_loop3A_54, %parallel_loop3A_113 : i32
        %parallel_loop3A_115 = arith.constant 2 : i32
        %parallel_loop3A_116 = arith.addi %parallel_loop3A_114, %parallel_loop3A_115 : i32
        %parallel_loop3A_117 = arith.index_cast %parallel_loop3A_116 : i32 to index
        %parallel_loop3A_118 = memref.load %arg8[%parallel_loop3A_117] : memref<512xi32, #tpu.memory_space<smem>>
        %parallel_loop3A_119 = arith.index_cast %parallel_loop3A_118 : i32 to index
        %parallel_loop3A_120 = arith.constant 0 : index
        %parallel_loop3A_121 = tpu.vector_load %arg7[%parallel_loop3A_119, %parallel_loop3A_120] {strides = array<i32>} : memref<3072x16xf32, #tpu.memory_space<vmem>>, vector<16xf32>,
        %parallel_loop3A_122 = arith.constant 2 : i32
        %parallel_loop3A_123 = vector.broadcast %parallel_loop3A_122 : i32 to vector<16xi32>
        %parallel_loop3A_124 = arith.constant 0 : i32
        %parallel_loop3A_125 = vector.broadcast %parallel_loop3A_124 : i32 to vector<16xi32>
        %parallel_loop3A_126 = arith.cmpi slt, %parallel_loop3A_123, %parallel_loop3A_125 : vector<16xi32>
        %parallel_loop3A_127 = arith.constant 16 : i32
        %parallel_loop3A_128 = vector.broadcast %parallel_loop3A_127 : i32 to vector<16xi32>
        %parallel_loop3A_129 = arith.addi %parallel_loop3A_123, %parallel_loop3A_128 : vector<16xi32>
        %parallel_loop3A_130 = arith.select %parallel_loop3A_126, %parallel_loop3A_129, %parallel_loop3A_123 : vector<16xi1>, vector<16xi32>
        %parallel_loop3A_131 = vector.shape_cast %parallel_loop3A_130 : vector<16xi32> to vector<16x1xi32>
        %parallel_loop3A_132 = vector.shape_cast %parallel_loop3A_131 : vector<16x1xi32> to vector<16xi32>
        %parallel_loop3A_133 = tpu.dynamic_gather %parallel_loop3A_58[%parallel_loop3A_132] in [0] : vector<16xf32>, vector<16xi32> -> vector<16xf32>
        %parallel_loop3A_134 = arith.index_cast %parallel_loop3A_116 : i32 to index
        %parallel_loop3A_135 = memref.load %arg9[%parallel_loop3A_134] : memref<512xi32, #tpu.memory_space<smem>>
        %parallel_loop3A_136 = arith.mulf %parallel_loop3A_121, %parallel_loop3A_133 : vector<16xf32>
        %parallel_loop3A_137 = arith.index_cast %parallel_loop3A_135 : i32 to index
        %parallel_loop3A_138 = arith.constant 0 : index
        %parallel_loop3A_139 = tpu.vector_load %arg11[%parallel_loop3A_137, %parallel_loop3A_138] {strides = array<i32>} : memref<3072x16xf32, #tpu.memory_space<vmem>>, vector<16xf32>,
        tpu.vector_store %arg11[%parallel_loop3A_137, %parallel_loop3A_138], %parallel_loop3A_136 {add = true, strides = array<i32>} : memref<3072x16xf32, #tpu.memory_space<vmem>>, vector<16xf32>,
        %parallel_loop3A_140 = arith.constant 16 : i32
        %parallel_loop3A_141 = arith.muli %parallel_loop3A_54, %parallel_loop3A_140 : i32
        %parallel_loop3A_142 = arith.constant 3 : i32
        %parallel_loop3A_143 = arith.addi %parallel_loop3A_141, %parallel_loop3A_142 : i32
        %parallel_loop3A_144 = arith.index_cast %parallel_loop3A_143 : i32 to index
        %parallel_loop3A_145 = memref.load %arg8[%parallel_loop3A_144] : memref<512xi32, #tpu.memory_space<smem>>
        %parallel_loop3A_146 = arith.index_cast %parallel_loop3A_145 : i32 to index
        %parallel_loop3A_147 = arith.constant 0 : index
        %parallel_loop3A_148 = tpu.vector_load %arg7[%parallel_loop3A_146, %parallel_loop3A_147] {strides = array<i32>} : memref<3072x16xf32, #tpu.memory_space<vmem>>, vector<16xf32>,
        %parallel_loop3A_149 = arith.constant 3 : i32
        %parallel_loop3A_150 = vector.broadcast %parallel_loop3A_149 : i32 to vector<16xi32>
        %parallel_loop3A_151 = arith.constant 0 : i32
        %parallel_loop3A_152 = vector.broadcast %parallel_loop3A_151 : i32 to vector<16xi32>
        %parallel_loop3A_153 = arith.cmpi slt, %parallel_loop3A_150, %parallel_loop3A_152 : vector<16xi32>
        %parallel_loop3A_154 = arith.constant 16 : i32
        %parallel_loop3A_155 = vector.broadcast %parallel_loop3A_154 : i32 to vector<16xi32>
        %parallel_loop3A_156 = arith.addi %parallel_loop3A_150, %parallel_loop3A_155 : vector<16xi32>
        %parallel_loop3A_157 = arith.select %parallel_loop3A_153, %parallel_loop3A_156, %parallel_loop3A_150 : vector<16xi1>, vector<16xi32>
        %parallel_loop3A_158 = vector.shape_cast %parallel_loop3A_157 : vector<16xi32> to vector<16x1xi32>
        %parallel_loop3A_159 = vector.shape_cast %parallel_loop3A_158 : vector<16x1xi32> to vector<16xi32>
        %parallel_loop3A_160 = tpu.dynamic_gather %parallel_loop3A_58[%parallel_loop3A_159] in [0] : vector<16xf32>, vector<16xi32> -> vector<16xf32>
        %parallel_loop3A_161 = arith.index_cast %parallel_loop3A_143 : i32 to index
        %parallel_loop3A_162 = memref.load %arg9[%parallel_loop3A_161] : memref<512xi32, #tpu.memory_space<smem>>
        %parallel_loop3A_163 = arith.mulf %parallel_loop3A_148, %parallel_loop3A_160 : vector<16xf32>
        %parallel_loop3A_164 = arith.index_cast %parallel_loop3A_162 : i32 to index
        %parallel_loop3A_165 = arith.constant 0 : index
        %parallel_loop3A_166 = tpu.vector_load %arg11[%parallel_loop3A_164, %parallel_loop3A_165] {strides = array<i32>} : memref<3072x16xf32, #tpu.memory_space<vmem>>, vector<16xf32>,
        tpu.vector_store %arg11[%parallel_loop3A_164, %parallel_loop3A_165], %parallel_loop3A_163 {add = true, strides = array<i32>} : memref<3072x16xf32, #tpu.memory_space<vmem>>, vector<16xf32>,
        %parallel_loop3A_167 = arith.constant 16 : i32
        %parallel_loop3A_168 = arith.muli %parallel_loop3A_54, %parallel_loop3A_167 : i32
        %parallel_loop3A_169 = arith.constant 4 : i32
        %parallel_loop3A_170 = arith.addi %parallel_loop3A_168, %parallel_loop3A_169 : i32
        %parallel_loop3A_171 = arith.index_cast %parallel_loop3A_170 : i32 to index
        %parallel_loop3A_172 = memref.load %arg8[%parallel_loop3A_171] : memref<512xi32, #tpu.memory_space<smem>>
        %parallel_loop3A_173 = arith.index_cast %parallel_loop3A_172 : i32 to index
        %parallel_loop3A_174 = arith.constant 0 : index
        %parallel_loop3A_175 = tpu.vector_load %arg7[%parallel_loop3A_173, %parallel_loop3A_174] {strides = array<i32>} : memref<3072x16xf32, #tpu.memory_space<vmem>>, vector<16xf32>,
        %parallel_loop3A_176 = arith.constant 4 : i32
        %parallel_loop3A_177 = vector.broadcast %parallel_loop3A_176 : i32 to vector<16xi32>
        %parallel_loop3A_178 = arith.constant 0 : i32
        %parallel_loop3A_179 = vector.broadcast %parallel_loop3A_178 : i32 to vector<16xi32>
        %parallel_loop3A_180 = arith.cmpi slt, %parallel_loop3A_177, %parallel_loop3A_179 : vector<16xi32>
        %parallel_loop3A_181 = arith.constant 16 : i32
        %parallel_loop3A_182 = vector.broadcast %parallel_loop3A_181 : i32 to vector<16xi32>
        %parallel_loop3A_183 = arith.addi %parallel_loop3A_177, %parallel_loop3A_182 : vector<16xi32>
        %parallel_loop3A_184 = arith.select %parallel_loop3A_180, %parallel_loop3A_183, %parallel_loop3A_177 : vector<16xi1>, vector<16xi32>
        %parallel_loop3A_185 = vector.shape_cast %parallel_loop3A_184 : vector<16xi32> to vector<16x1xi32>
        %parallel_loop3A_186 = vector.shape_cast %parallel_loop3A_185 : vector<16x1xi32> to vector<16xi32>
        %parallel_loop3A_187 = tpu.dynamic_gather %parallel_loop3A_58[%parallel_loop3A_186] in [0] : vector<16xf32>, vector<16xi32> -> vector<16xf32>
        %parallel_loop3A_188 = arith.index_cast %parallel_loop3A_170 : i32 to index
        %parallel_loop3A_189 = memref.load %arg9[%parallel_loop3A_188] : memref<512xi32, #tpu.memory_space<smem>>
        %parallel_loop3A_190 = arith.mulf %parallel_loop3A_175, %parallel_loop3A_187 : vector<16xf32>
        %parallel_loop3A_191 = arith.index_cast %parallel_loop3A_189 : i32 to index
        %parallel_loop3A_192 = arith.constant 0 : index
        %parallel_loop3A_193 = tpu.vector_load %arg11[%parallel_loop3A_191, %parallel_loop3A_192] {strides = array<i32>} : memref<3072x16xf32, #tpu.memory_space<vmem>>, vector<16xf32>,
        tpu.vector_store %arg11[%parallel_loop3A_191, %parallel_loop3A_192], %parallel_loop3A_190 {add = true, strides = array<i32>} : memref<3072x16xf32, #tpu.memory_space<vmem>>, vector<16xf32>,
        %parallel_loop3A_194 = arith.constant 16 : i32
        %parallel_loop3A_195 = arith.muli %parallel_loop3A_54, %parallel_loop3A_194 : i32
        %parallel_loop3A_196 = arith.constant 5 : i32
        %parallel_loop3A_197 = arith.addi %parallel_loop3A_195, %parallel_loop3A_196 : i32
        %parallel_loop3A_198 = arith.index_cast %parallel_loop3A_197 : i32 to index
        %parallel_loop3A_199 = memref.load %arg8[%parallel_loop3A_198] : memref<512xi32, #tpu.memory_space<smem>>
        %parallel_loop3A_200 = arith.index_cast %parallel_loop3A_199 : i32 to index
        %parallel_loop3A_201 = arith.constant 0 : index
        %parallel_loop3A_202 = tpu.vector_load %arg7[%parallel_loop3A_200, %parallel_loop3A_201] {strides = array<i32>} : memref<3072x16xf32, #tpu.memory_space<vmem>>, vector<16xf32>,
        %parallel_loop3A_203 = arith.constant 5 : i32
        %parallel_loop3A_204 = vector.broadcast %parallel_loop3A_203 : i32 to vector<16xi32>
        %parallel_loop3A_205 = arith.constant 0 : i32
        %parallel_loop3A_206 = vector.broadcast %parallel_loop3A_205 : i32 to vector<16xi32>
        %parallel_loop3A_207 = arith.cmpi slt, %parallel_loop3A_204, %parallel_loop3A_206 : vector<16xi32>
        %parallel_loop3A_208 = arith.constant 16 : i32
        %parallel_loop3A_209 = vector.broadcast %parallel_loop3A_208 : i32 to vector<16xi32>
        %parallel_loop3A_210 = arith.addi %parallel_loop3A_204, %parallel_loop3A_209 : vector<16xi32>
        %parallel_loop3A_211 = arith.select %parallel_loop3A_207, %parallel_loop3A_210, %parallel_loop3A_204 : vector<16xi1>, vector<16xi32>
        %parallel_loop3A_212 = vector.shape_cast %parallel_loop3A_211 : vector<16xi32> to vector<16x1xi32>
        %parallel_loop3A_213 = vector.shape_cast %parallel_loop3A_212 : vector<16x1xi32> to vector<16xi32>
        %parallel_loop3A_214 = tpu.dynamic_gather %parallel_loop3A_58[%parallel_loop3A_213] in [0] : vector<16xf32>, vector<16xi32> -> vector<16xf32>
        %parallel_loop3A_215 = arith.index_cast %parallel_loop3A_197 : i32 to index
        %parallel_loop3A_216 = memref.load %arg9[%parallel_loop3A_215] : memref<512xi32, #tpu.memory_space<smem>>
        %parallel_loop3A_217 = arith.mulf %parallel_loop3A_202, %parallel_loop3A_214 : vector<16xf32>
        %parallel_loop3A_218 = arith.index_cast %parallel_loop3A_216 : i32 to index
        %parallel_loop3A_219 = arith.constant 0 : index
        %parallel_loop3A_220 = tpu.vector_load %arg11[%parallel_loop3A_218, %parallel_loop3A_219] {strides = array<i32>} : memref<3072x16xf32, #tpu.memory_space<vmem>>, vector<16xf32>,
        tpu.vector_store %arg11[%parallel_loop3A_218, %parallel_loop3A_219], %parallel_loop3A_217 {add = true, strides = array<i32>} : memref<3072x16xf32, #tpu.memory_space<vmem>>, vector<16xf32>,
        %parallel_loop3A_221 = arith.constant 16 : i32
        %parallel_loop3A_222 = arith.muli %parallel_loop3A_54, %parallel_loop3A_221 : i32
        %parallel_loop3A_223 = arith.constant 6 : i32
        %parallel_loop3A_224 = arith.addi %parallel_loop3A_222, %parallel_loop3A_223 : i32
        %parallel_loop3A_225 = arith.index_cast %parallel_loop3A_224 : i32 to index
        %parallel_loop3A_226 = memref.load %arg8[%parallel_loop3A_225] : memref<512xi32, #tpu.memory_space<smem>>
        %parallel_loop3A_227 = arith.index_cast %parallel_loop3A_226 : i32 to index
        %parallel_loop3A_228 = arith.constant 0 : index
        %parallel_loop3A_229 = tpu.vector_load %arg7[%parallel_loop3A_227, %parallel_loop3A_228] {strides = array<i32>} : memref<3072x16xf32, #tpu.memory_space<vmem>>, vector<16xf32>,
        %parallel_loop3A_230 = arith.constant 6 : i32
        %parallel_loop3A_231 = vector.broadcast %parallel_loop3A_230 : i32 to vector<16xi32>
        %parallel_loop3A_232 = arith.constant 0 : i32
        %parallel_loop3A_233 = vector.broadcast %parallel_loop3A_232 : i32 to vector<16xi32>
        %parallel_loop3A_234 = arith.cmpi slt, %parallel_loop3A_231, %parallel_loop3A_233 : vector<16xi32>
        %parallel_loop3A_235 = arith.constant 16 : i32
        %parallel_loop3A_236 = vector.broadcast %parallel_loop3A_235 : i32 to vector<16xi32>
        %parallel_loop3A_237 = arith.addi %parallel_loop3A_231, %parallel_loop3A_236 : vector<16xi32>
        %parallel_loop3A_238 = arith.select %parallel_loop3A_234, %parallel_loop3A_237, %parallel_loop3A_231 : vector<16xi1>, vector<16xi32>
        %parallel_loop3A_239 = vector.shape_cast %parallel_loop3A_238 : vector<16xi32> to vector<16x1xi32>
        %parallel_loop3A_240 = vector.shape_cast %parallel_loop3A_239 : vector<16x1xi32> to vector<16xi32>
        %parallel_loop3A_241 = tpu.dynamic_gather %parallel_loop3A_58[%parallel_loop3A_240] in [0] : vector<16xf32>, vector<16xi32> -> vector<16xf32>
        %parallel_loop3A_242 = arith.index_cast %parallel_loop3A_224 : i32 to index
        %parallel_loop3A_243 = memref.load %arg9[%parallel_loop3A_242] : memref<512xi32, #tpu.memory_space<smem>>
        %parallel_loop3A_244 = arith.mulf %parallel_loop3A_229, %parallel_loop3A_241 : vector<16xf32>
        %parallel_loop3A_245 = arith.index_cast %parallel_loop3A_243 : i32 to index
        %parallel_loop3A_246 = arith.constant 0 : index
        %parallel_loop3A_247 = tpu.vector_load %arg11[%parallel_loop3A_245, %parallel_loop3A_246] {strides = array<i32>} : memref<3072x16xf32, #tpu.memory_space<vmem>>, vector<16xf32>,
        tpu.vector_store %arg11[%parallel_loop3A_245, %parallel_loop3A_246], %parallel_loop3A_244 {add = true, strides = array<i32>} : memref<3072x16xf32, #tpu.memory_space<vmem>>, vector<16xf32>,
        %parallel_loop3A_248 = arith.constant 16 : i32
        %parallel_loop3A_249 = arith.muli %parallel_loop3A_54, %parallel_loop3A_248 : i32
        %parallel_loop3A_250 = arith.constant 7 : i32
        %parallel_loop3A_251 = arith.addi %parallel_loop3A_249, %parallel_loop3A_250 : i32
        %parallel_loop3A_252 = arith.index_cast %parallel_loop3A_251 : i32 to index
        %parallel_loop3A_253 = memref.load %arg8[%parallel_loop3A_252] : memref<512xi32, #tpu.memory_space<smem>>
        %parallel_loop3A_254 = arith.index_cast %parallel_loop3A_253 : i32 to index
        %parallel_loop3A_255 = arith.constant 0 : index
        %parallel_loop3A_256 = tpu.vector_load %arg7[%parallel_loop3A_254, %parallel_loop3A_255] {strides = array<i32>} : memref<3072x16xf32, #tpu.memory_space<vmem>>, vector<16xf32>,
        %parallel_loop3A_257 = arith.constant 7 : i32
        %parallel_loop3A_258 = vector.broadcast %parallel_loop3A_257 : i32 to vector<16xi32>
        %parallel_loop3A_259 = arith.constant 0 : i32
        %parallel_loop3A_260 = vector.broadcast %parallel_loop3A_259 : i32 to vector<16xi32>
        %parallel_loop3A_261 = arith.cmpi slt, %parallel_loop3A_258, %parallel_loop3A_260 : vector<16xi32>
        %parallel_loop3A_262 = arith.constant 16 : i32
        %parallel_loop3A_263 = vector.broadcast %parallel_loop3A_262 : i32 to vector<16xi32>
        %parallel_loop3A_264 = arith.addi %parallel_loop3A_258, %parallel_loop3A_263 : vector<16xi32>
        %parallel_loop3A_265 = arith.select %parallel_loop3A_261, %parallel_loop3A_264, %parallel_loop3A_258 : vector<16xi1>, vector<16xi32>
        %parallel_loop3A_266 = vector.shape_cast %parallel_loop3A_265 : vector<16xi32> to vector<16x1xi32>
        %parallel_loop3A_267 = vector.shape_cast %parallel_loop3A_266 : vector<16x1xi32> to vector<16xi32>
        %parallel_loop3A_268 = tpu.dynamic_gather %parallel_loop3A_58[%parallel_loop3A_267] in [0] : vector<16xf32>, vector<16xi32> -> vector<16xf32>
        %parallel_loop3A_269 = arith.index_cast %parallel_loop3A_251 : i32 to index
        %parallel_loop3A_270 = memref.load %arg9[%parallel_loop3A_269] : memref<512xi32, #tpu.memory_space<smem>>
        %parallel_loop3A_271 = arith.mulf %parallel_loop3A_256, %parallel_loop3A_268 : vector<16xf32>
        %parallel_loop3A_272 = arith.index_cast %parallel_loop3A_270 : i32 to index
        %parallel_loop3A_273 = arith.constant 0 : index
        %parallel_loop3A_274 = tpu.vector_load %arg11[%parallel_loop3A_272, %parallel_loop3A_273] {strides = array<i32>} : memref<3072x16xf32, #tpu.memory_space<vmem>>, vector<16xf32>,
        tpu.vector_store %arg11[%parallel_loop3A_272, %parallel_loop3A_273], %parallel_loop3A_271 {add = true, strides = array<i32>} : memref<3072x16xf32, #tpu.memory_space<vmem>>, vector<16xf32>,
        %parallel_loop3A_275 = arith.constant 16 : i32
        %parallel_loop3A_276 = arith.muli %parallel_loop3A_54, %parallel_loop3A_275 : i32
        %parallel_loop3A_277 = arith.constant 8 : i32
        %parallel_loop3A_278 = arith.addi %parallel_loop3A_276, %parallel_loop3A_277 : i32
        %parallel_loop3A_279 = arith.index_cast %parallel_loop3A_278 : i32 to index
        %parallel_loop3A_280 = memref.load %arg8[%parallel_loop3A_279] : memref<512xi32, #tpu.memory_space<smem>>
        %parallel_loop3A_281 = arith.index_cast %parallel_loop3A_280 : i32 to index
        %parallel_loop3A_282 = arith.constant 0 : index
        %parallel_loop3A_283 = tpu.vector_load %arg7[%parallel_loop3A_281, %parallel_loop3A_282] {strides = array<i32>} : memref<3072x16xf32, #tpu.memory_space<vmem>>, vector<16xf32>,
        %parallel_loop3A_284 = arith.constant 8 : i32
        %parallel_loop3A_285 = vector.broadcast %parallel_loop3A_284 : i32 to vector<16xi32>
        %parallel_loop3A_286 = arith.constant 0 : i32
        %parallel_loop3A_287 = vector.broadcast %parallel_loop3A_286 : i32 to vector<16xi32>
        %parallel_loop3A_288 = arith.cmpi slt, %parallel_loop3A_285, %parallel_loop3A_287 : vector<16xi32>
        %parallel_loop3A_289 = arith.constant 16 : i32
        %parallel_loop3A_290 = vector.broadcast %parallel_loop3A_289 : i32 to vector<16xi32>
        %parallel_loop3A_291 = arith.addi %parallel_loop3A_285, %parallel_loop3A_290 : vector<16xi32>
        %parallel_loop3A_292 = arith.select %parallel_loop3A_288, %parallel_loop3A_291, %parallel_loop3A_285 : vector<16xi1>, vector<16xi32>
        %parallel_loop3A_293 = vector.shape_cast %parallel_loop3A_292 : vector<16xi32> to vector<16x1xi32>
        %parallel_loop3A_294 = vector.shape_cast %parallel_loop3A_293 : vector<16x1xi32> to vector<16xi32>
        %parallel_loop3A_295 = tpu.dynamic_gather %parallel_loop3A_58[%parallel_loop3A_294] in [0] : vector<16xf32>, vector<16xi32> -> vector<16xf32>
        %parallel_loop3A_296 = arith.index_cast %parallel_loop3A_278 : i32 to index
        %parallel_loop3A_297 = memref.load %arg9[%parallel_loop3A_296] : memref<512xi32, #tpu.memory_space<smem>>
        %parallel_loop3A_298 = arith.mulf %parallel_loop3A_283, %parallel_loop3A_295 : vector<16xf32>
        %parallel_loop3A_299 = arith.index_cast %parallel_loop3A_297 : i32 to index
        %parallel_loop3A_300 = arith.constant 0 : index
        %parallel_loop3A_301 = tpu.vector_load %arg11[%parallel_loop3A_299, %parallel_loop3A_300] {strides = array<i32>} : memref<3072x16xf32, #tpu.memory_space<vmem>>, vector<16xf32>,
        tpu.vector_store %arg11[%parallel_loop3A_299, %parallel_loop3A_300], %parallel_loop3A_298 {add = true, strides = array<i32>} : memref<3072x16xf32, #tpu.memory_space<vmem>>, vector<16xf32>,
        %parallel_loop3A_302 = arith.constant 16 : i32
        %parallel_loop3A_303 = arith.muli %parallel_loop3A_54, %parallel_loop3A_302 : i32
        %parallel_loop3A_304 = arith.constant 9 : i32
        %parallel_loop3A_305 = arith.addi %parallel_loop3A_303, %parallel_loop3A_304 : i32
        %parallel_loop3A_306 = arith.index_cast %parallel_loop3A_305 : i32 to index
        %parallel_loop3A_307 = memref.load %arg8[%parallel_loop3A_306] : memref<512xi32, #tpu.memory_space<smem>>
        %parallel_loop3A_308 = arith.index_cast %parallel_loop3A_307 : i32 to index
        %parallel_loop3A_309 = arith.constant 0 : index
        %parallel_loop3A_310 = tpu.vector_load %arg7[%parallel_loop3A_308, %parallel_loop3A_309] {strides = array<i32>} : memref<3072x16xf32, #tpu.memory_space<vmem>>, vector<16xf32>,
        %parallel_loop3A_311 = arith.constant 9 : i32
        %parallel_loop3A_312 = vector.broadcast %parallel_loop3A_311 : i32 to vector<16xi32>
        %parallel_loop3A_313 = arith.constant 0 : i32
        %parallel_loop3A_314 = vector.broadcast %parallel_loop3A_313 : i32 to vector<16xi32>
        %parallel_loop3A_315 = arith.cmpi slt, %parallel_loop3A_312, %parallel_loop3A_314 : vector<16xi32>
        %parallel_loop3A_316 = arith.constant 16 : i32
        %parallel_loop3A_317 = vector.broadcast %parallel_loop3A_316 : i32 to vector<16xi32>
        %parallel_loop3A_318 = arith.addi %parallel_loop3A_312, %parallel_loop3A_317 : vector<16xi32>
        %parallel_loop3A_319 = arith.select %parallel_loop3A_315, %parallel_loop3A_318, %parallel_loop3A_312 : vector<16xi1>, vector<16xi32>
        %parallel_loop3A_320 = vector.shape_cast %parallel_loop3A_319 : vector<16xi32> to vector<16x1xi32>
        %parallel_loop3A_321 = vector.shape_cast %parallel_loop3A_320 : vector<16x1xi32> to vector<16xi32>
        %parallel_loop3A_322 = tpu.dynamic_gather %parallel_loop3A_58[%parallel_loop3A_321] in [0] : vector<16xf32>, vector<16xi32> -> vector<16xf32>
        %parallel_loop3A_323 = arith.index_cast %parallel_loop3A_305 : i32 to index
        %parallel_loop3A_324 = memref.load %arg9[%parallel_loop3A_323] : memref<512xi32, #tpu.memory_space<smem>>
        %parallel_loop3A_325 = arith.mulf %parallel_loop3A_310, %parallel_loop3A_322 : vector<16xf32>
        %parallel_loop3A_326 = arith.index_cast %parallel_loop3A_324 : i32 to index
        %parallel_loop3A_327 = arith.constant 0 : index
        %parallel_loop3A_328 = tpu.vector_load %arg11[%parallel_loop3A_326, %parallel_loop3A_327] {strides = array<i32>} : memref<3072x16xf32, #tpu.memory_space<vmem>>, vector<16xf32>,
        tpu.vector_store %arg11[%parallel_loop3A_326, %parallel_loop3A_327], %parallel_loop3A_325 {add = true, strides = array<i32>} : memref<3072x16xf32, #tpu.memory_space<vmem>>, vector<16xf32>,
        %parallel_loop3A_329 = arith.constant 16 : i32
        %parallel_loop3A_330 = arith.muli %parallel_loop3A_54, %parallel_loop3A_329 : i32
        %parallel_loop3A_331 = arith.constant 10 : i32
        %parallel_loop3A_332 = arith.addi %parallel_loop3A_330, %parallel_loop3A_331 : i32
        %parallel_loop3A_333 = arith.index_cast %parallel_loop3A_332 : i32 to index
        %parallel_loop3A_334 = memref.load %arg8[%parallel_loop3A_333] : memref<512xi32, #tpu.memory_space<smem>>
        %parallel_loop3A_335 = arith.index_cast %parallel_loop3A_334 : i32 to index
        %parallel_loop3A_336 = arith.constant 0 : index
        %parallel_loop3A_337 = tpu.vector_load %arg7[%parallel_loop3A_335, %parallel_loop3A_336] {strides = array<i32>} : memref<3072x16xf32, #tpu.memory_space<vmem>>, vector<16xf32>,
        %parallel_loop3A_338 = arith.constant 10 : i32
        %parallel_loop3A_339 = vector.broadcast %parallel_loop3A_338 : i32 to vector<16xi32>
        %parallel_loop3A_340 = arith.constant 0 : i32
        %parallel_loop3A_341 = vector.broadcast %parallel_loop3A_340 : i32 to vector<16xi32>
        %parallel_loop3A_342 = arith.cmpi slt, %parallel_loop3A_339, %parallel_loop3A_341 : vector<16xi32>
        %parallel_loop3A_343 = arith.constant 16 : i32
        %parallel_loop3A_344 = vector.broadcast %parallel_loop3A_343 : i32 to vector<16xi32>
        %parallel_loop3A_345 = arith.addi %parallel_loop3A_339, %parallel_loop3A_344 : vector<16xi32>
        %parallel_loop3A_346 = arith.select %parallel_loop3A_342, %parallel_loop3A_345, %parallel_loop3A_339 : vector<16xi1>, vector<16xi32>
        %parallel_loop3A_347 = vector.shape_cast %parallel_loop3A_346 : vector<16xi32> to vector<16x1xi32>
        %parallel_loop3A_348 = vector.shape_cast %parallel_loop3A_347 : vector<16x1xi32> to vector<16xi32>
        %parallel_loop3A_349 = tpu.dynamic_gather %parallel_loop3A_58[%parallel_loop3A_348] in [0] : vector<16xf32>, vector<16xi32> -> vector<16xf32>
        %parallel_loop3A_350 = arith.index_cast %parallel_loop3A_332 : i32 to index
        %parallel_loop3A_351 = memref.load %arg9[%parallel_loop3A_350] : memref<512xi32, #tpu.memory_space<smem>>
        %parallel_loop3A_352 = arith.mulf %parallel_loop3A_337, %parallel_loop3A_349 : vector<16xf32>
        %parallel_loop3A_353 = arith.index_cast %parallel_loop3A_351 : i32 to index
        %parallel_loop3A_354 = arith.constant 0 : index
        %parallel_loop3A_355 = tpu.vector_load %arg11[%parallel_loop3A_353, %parallel_loop3A_354] {strides = array<i32>} : memref<3072x16xf32, #tpu.memory_space<vmem>>, vector<16xf32>,
        tpu.vector_store %arg11[%parallel_loop3A_353, %parallel_loop3A_354], %parallel_loop3A_352 {add = true, strides = array<i32>} : memref<3072x16xf32, #tpu.memory_space<vmem>>, vector<16xf32>,
        %parallel_loop3A_356 = arith.constant 16 : i32
        %parallel_loop3A_357 = arith.muli %parallel_loop3A_54, %parallel_loop3A_356 : i32
        %parallel_loop3A_358 = arith.constant 11 : i32
        %parallel_loop3A_359 = arith.addi %parallel_loop3A_357, %parallel_loop3A_358 : i32
        %parallel_loop3A_360 = arith.index_cast %parallel_loop3A_359 : i32 to index
        %parallel_loop3A_361 = memref.load %arg8[%parallel_loop3A_360] : memref<512xi32, #tpu.memory_space<smem>>
        %parallel_loop3A_362 = arith.index_cast %parallel_loop3A_361 : i32 to index
        %parallel_loop3A_363 = arith.constant 0 : index
        %parallel_loop3A_364 = tpu.vector_load %arg7[%parallel_loop3A_362, %parallel_loop3A_363] {strides = array<i32>} : memref<3072x16xf32, #tpu.memory_space<vmem>>, vector<16xf32>,
        %parallel_loop3A_365 = arith.constant 11 : i32
        %parallel_loop3A_366 = vector.broadcast %parallel_loop3A_365 : i32 to vector<16xi32>
        %parallel_loop3A_367 = arith.constant 0 : i32
        %parallel_loop3A_368 = vector.broadcast %parallel_loop3A_367 : i32 to vector<16xi32>
        %parallel_loop3A_369 = arith.cmpi slt, %parallel_loop3A_366, %parallel_loop3A_368 : vector<16xi32>
        %parallel_loop3A_370 = arith.constant 16 : i32
        %parallel_loop3A_371 = vector.broadcast %parallel_loop3A_370 : i32 to vector<16xi32>
        %parallel_loop3A_372 = arith.addi %parallel_loop3A_366, %parallel_loop3A_371 : vector<16xi32>
        %parallel_loop3A_373 = arith.select %parallel_loop3A_369, %parallel_loop3A_372, %parallel_loop3A_366 : vector<16xi1>, vector<16xi32>
        %parallel_loop3A_374 = vector.shape_cast %parallel_loop3A_373 : vector<16xi32> to vector<16x1xi32>
        %parallel_loop3A_375 = vector.shape_cast %parallel_loop3A_374 : vector<16x1xi32> to vector<16xi32>
        %parallel_loop3A_376 = tpu.dynamic_gather %parallel_loop3A_58[%parallel_loop3A_375] in [0] : vector<16xf32>, vector<16xi32> -> vector<16xf32>
        %parallel_loop3A_377 = arith.index_cast %parallel_loop3A_359 : i32 to index
        %parallel_loop3A_378 = memref.load %arg9[%parallel_loop3A_377] : memref<512xi32, #tpu.memory_space<smem>>
        %parallel_loop3A_379 = arith.mulf %parallel_loop3A_364, %parallel_loop3A_376 : vector<16xf32>
        %parallel_loop3A_380 = arith.index_cast %parallel_loop3A_378 : i32 to index
        %parallel_loop3A_381 = arith.constant 0 : index
        %parallel_loop3A_382 = tpu.vector_load %arg11[%parallel_loop3A_380, %parallel_loop3A_381] {strides = array<i32>} : memref<3072x16xf32, #tpu.memory_space<vmem>>, vector<16xf32>,
        tpu.vector_store %arg11[%parallel_loop3A_380, %parallel_loop3A_381], %parallel_loop3A_379 {add = true, strides = array<i32>} : memref<3072x16xf32, #tpu.memory_space<vmem>>, vector<16xf32>,
        %parallel_loop3A_383 = arith.constant 16 : i32
        %parallel_loop3A_384 = arith.muli %parallel_loop3A_54, %parallel_loop3A_383 : i32
        %parallel_loop3A_385 = arith.constant 12 : i32
        %parallel_loop3A_386 = arith.addi %parallel_loop3A_384, %parallel_loop3A_385 : i32
        %parallel_loop3A_387 = arith.index_cast %parallel_loop3A_386 : i32 to index
        %parallel_loop3A_388 = memref.load %arg8[%parallel_loop3A_387] : memref<512xi32, #tpu.memory_space<smem>>
        %parallel_loop3A_389 = arith.index_cast %parallel_loop3A_388 : i32 to index
        %parallel_loop3A_390 = arith.constant 0 : index
        %parallel_loop3A_391 = tpu.vector_load %arg7[%parallel_loop3A_389, %parallel_loop3A_390] {strides = array<i32>} : memref<3072x16xf32, #tpu.memory_space<vmem>>, vector<16xf32>,
        %parallel_loop3A_392 = arith.constant 12 : i32
        %parallel_loop3A_393 = vector.broadcast %parallel_loop3A_392 : i32 to vector<16xi32>
        %parallel_loop3A_394 = arith.constant 0 : i32
        %parallel_loop3A_395 = vector.broadcast %parallel_loop3A_394 : i32 to vector<16xi32>
        %parallel_loop3A_396 = arith.cmpi slt, %parallel_loop3A_393, %parallel_loop3A_395 : vector<16xi32>
        %parallel_loop3A_397 = arith.constant 16 : i32
        %parallel_loop3A_398 = vector.broadcast %parallel_loop3A_397 : i32 to vector<16xi32>
        %parallel_loop3A_399 = arith.addi %parallel_loop3A_393, %parallel_loop3A_398 : vector<16xi32>
        %parallel_loop3A_400 = arith.select %parallel_loop3A_396, %parallel_loop3A_399, %parallel_loop3A_393 : vector<16xi1>, vector<16xi32>
        %parallel_loop3A_401 = vector.shape_cast %parallel_loop3A_400 : vector<16xi32> to vector<16x1xi32>
        %parallel_loop3A_402 = vector.shape_cast %parallel_loop3A_401 : vector<16x1xi32> to vector<16xi32>
        %parallel_loop3A_403 = tpu.dynamic_gather %parallel_loop3A_58[%parallel_loop3A_402] in [0] : vector<16xf32>, vector<16xi32> -> vector<16xf32>
        %parallel_loop3A_404 = arith.index_cast %parallel_loop3A_386 : i32 to index
        %parallel_loop3A_405 = memref.load %arg9[%parallel_loop3A_404] : memref<512xi32, #tpu.memory_space<smem>>
        %parallel_loop3A_406 = arith.mulf %parallel_loop3A_391, %parallel_loop3A_403 : vector<16xf32>
        %parallel_loop3A_407 = arith.index_cast %parallel_loop3A_405 : i32 to index
        %parallel_loop3A_408 = arith.constant 0 : index
        %parallel_loop3A_409 = tpu.vector_load %arg11[%parallel_loop3A_407, %parallel_loop3A_408] {strides = array<i32>} : memref<3072x16xf32, #tpu.memory_space<vmem>>, vector<16xf32>,
        tpu.vector_store %arg11[%parallel_loop3A_407, %parallel_loop3A_408], %parallel_loop3A_406 {add = true, strides = array<i32>} : memref<3072x16xf32, #tpu.memory_space<vmem>>, vector<16xf32>,
        %parallel_loop3A_410 = arith.constant 16 : i32
        %parallel_loop3A_411 = arith.muli %parallel_loop3A_54, %parallel_loop3A_410 : i32
        %parallel_loop3A_412 = arith.constant 13 : i32
        %parallel_loop3A_413 = arith.addi %parallel_loop3A_411, %parallel_loop3A_412 : i32
        %parallel_loop3A_414 = arith.index_cast %parallel_loop3A_413 : i32 to index
        %parallel_loop3A_415 = memref.load %arg8[%parallel_loop3A_414] : memref<512xi32, #tpu.memory_space<smem>>
        %parallel_loop3A_416 = arith.index_cast %parallel_loop3A_415 : i32 to index
        %parallel_loop3A_417 = arith.constant 0 : index
        %parallel_loop3A_418 = tpu.vector_load %arg7[%parallel_loop3A_416, %parallel_loop3A_417] {strides = array<i32>} : memref<3072x16xf32, #tpu.memory_space<vmem>>, vector<16xf32>,
        %parallel_loop3A_419 = arith.constant 13 : i32
        %parallel_loop3A_420 = vector.broadcast %parallel_loop3A_419 : i32 to vector<16xi32>
        %parallel_loop3A_421 = arith.constant 0 : i32
        %parallel_loop3A_422 = vector.broadcast %parallel_loop3A_421 : i32 to vector<16xi32>
        %parallel_loop3A_423 = arith.cmpi slt, %parallel_loop3A_420, %parallel_loop3A_422 : vector<16xi32>
        %parallel_loop3A_424 = arith.constant 16 : i32
        %parallel_loop3A_425 = vector.broadcast %parallel_loop3A_424 : i32 to vector<16xi32>
        %parallel_loop3A_426 = arith.addi %parallel_loop3A_420, %parallel_loop3A_425 : vector<16xi32>
        %parallel_loop3A_427 = arith.select %parallel_loop3A_423, %parallel_loop3A_426, %parallel_loop3A_420 : vector<16xi1>, vector<16xi32>
        %parallel_loop3A_428 = vector.shape_cast %parallel_loop3A_427 : vector<16xi32> to vector<16x1xi32>
        %parallel_loop3A_429 = vector.shape_cast %parallel_loop3A_428 : vector<16x1xi32> to vector<16xi32>
        %parallel_loop3A_430 = tpu.dynamic_gather %parallel_loop3A_58[%parallel_loop3A_429] in [0] : vector<16xf32>, vector<16xi32> -> vector<16xf32>
        %parallel_loop3A_431 = arith.index_cast %parallel_loop3A_413 : i32 to index
        %parallel_loop3A_432 = memref.load %arg9[%parallel_loop3A_431] : memref<512xi32, #tpu.memory_space<smem>>
        %parallel_loop3A_433 = arith.mulf %parallel_loop3A_418, %parallel_loop3A_430 : vector<16xf32>
        %parallel_loop3A_434 = arith.index_cast %parallel_loop3A_432 : i32 to index
        %parallel_loop3A_435 = arith.constant 0 : index
        %parallel_loop3A_436 = tpu.vector_load %arg11[%parallel_loop3A_434, %parallel_loop3A_435] {strides = array<i32>} : memref<3072x16xf32, #tpu.memory_space<vmem>>, vector<16xf32>,
        tpu.vector_store %arg11[%parallel_loop3A_434, %parallel_loop3A_435], %parallel_loop3A_433 {add = true, strides = array<i32>} : memref<3072x16xf32, #tpu.memory_space<vmem>>, vector<16xf32>,
        %parallel_loop3A_437 = arith.constant 16 : i32
        %parallel_loop3A_438 = arith.muli %parallel_loop3A_54, %parallel_loop3A_437 : i32
        %parallel_loop3A_439 = arith.constant 14 : i32
        %parallel_loop3A_440 = arith.addi %parallel_loop3A_438, %parallel_loop3A_439 : i32
        %parallel_loop3A_441 = arith.index_cast %parallel_loop3A_440 : i32 to index
        %parallel_loop3A_442 = memref.load %arg8[%parallel_loop3A_441] : memref<512xi32, #tpu.memory_space<smem>>
        %parallel_loop3A_443 = arith.index_cast %parallel_loop3A_442 : i32 to index
        %parallel_loop3A_444 = arith.constant 0 : index
        %parallel_loop3A_445 = tpu.vector_load %arg7[%parallel_loop3A_443, %parallel_loop3A_444] {strides = array<i32>} : memref<3072x16xf32, #tpu.memory_space<vmem>>, vector<16xf32>,
        %parallel_loop3A_446 = arith.constant 14 : i32
        %parallel_loop3A_447 = vector.broadcast %parallel_loop3A_446 : i32 to vector<16xi32>
        %parallel_loop3A_448 = arith.constant 0 : i32
        %parallel_loop3A_449 = vector.broadcast %parallel_loop3A_448 : i32 to vector<16xi32>
        %parallel_loop3A_450 = arith.cmpi slt, %parallel_loop3A_447, %parallel_loop3A_449 : vector<16xi32>
        %parallel_loop3A_451 = arith.constant 16 : i32
        %parallel_loop3A_452 = vector.broadcast %parallel_loop3A_451 : i32 to vector<16xi32>
        %parallel_loop3A_453 = arith.addi %parallel_loop3A_447, %parallel_loop3A_452 : vector<16xi32>
        %parallel_loop3A_454 = arith.select %parallel_loop3A_450, %parallel_loop3A_453, %parallel_loop3A_447 : vector<16xi1>, vector<16xi32>
        %parallel_loop3A_455 = vector.shape_cast %parallel_loop3A_454 : vector<16xi32> to vector<16x1xi32>
        %parallel_loop3A_456 = vector.shape_cast %parallel_loop3A_455 : vector<16x1xi32> to vector<16xi32>
        %parallel_loop3A_457 = tpu.dynamic_gather %parallel_loop3A_58[%parallel_loop3A_456] in [0] : vector<16xf32>, vector<16xi32> -> vector<16xf32>
        %parallel_loop3A_458 = arith.index_cast %parallel_loop3A_440 : i32 to index
        %parallel_loop3A_459 = memref.load %arg9[%parallel_loop3A_458] : memref<512xi32, #tpu.memory_space<smem>>
        %parallel_loop3A_460 = arith.mulf %parallel_loop3A_445, %parallel_loop3A_457 : vector<16xf32>
        %parallel_loop3A_461 = arith.index_cast %parallel_loop3A_459 : i32 to index
        %parallel_loop3A_462 = arith.constant 0 : index
        %parallel_loop3A_463 = tpu.vector_load %arg11[%parallel_loop3A_461, %parallel_loop3A_462] {strides = array<i32>} : memref<3072x16xf32, #tpu.memory_space<vmem>>, vector<16xf32>,
        tpu.vector_store %arg11[%parallel_loop3A_461, %parallel_loop3A_462], %parallel_loop3A_460 {add = true, strides = array<i32>} : memref<3072x16xf32, #tpu.memory_space<vmem>>, vector<16xf32>,
        %parallel_loop3A_464 = arith.constant 16 : i32
        %parallel_loop3A_465 = arith.muli %parallel_loop3A_54, %parallel_loop3A_464 : i32
        %parallel_loop3A_466 = arith.constant 15 : i32
        %parallel_loop3A_467 = arith.addi %parallel_loop3A_465, %parallel_loop3A_466 : i32
        %parallel_loop3A_468 = arith.index_cast %parallel_loop3A_467 : i32 to index
        %parallel_loop3A_469 = memref.load %arg8[%parallel_loop3A_468] : memref<512xi32, #tpu.memory_space<smem>>
        %parallel_loop3A_470 = arith.index_cast %parallel_loop3A_469 : i32 to index
        %parallel_loop3A_471 = arith.constant 0 : index
        %parallel_loop3A_472 = tpu.vector_load %arg7[%parallel_loop3A_470, %parallel_loop3A_471] {strides = array<i32>} : memref<3072x16xf32, #tpu.memory_space<vmem>>, vector<16xf32>,
        %parallel_loop3A_473 = arith.constant 15 : i32
        %parallel_loop3A_474 = vector.broadcast %parallel_loop3A_473 : i32 to vector<16xi32>
        %parallel_loop3A_475 = arith.constant 0 : i32
        %parallel_loop3A_476 = vector.broadcast %parallel_loop3A_475 : i32 to vector<16xi32>
        %parallel_loop3A_477 = arith.cmpi slt, %parallel_loop3A_474, %parallel_loop3A_476 : vector<16xi32>
        %parallel_loop3A_478 = arith.constant 16 : i32
        %parallel_loop3A_479 = vector.broadcast %parallel_loop3A_478 : i32 to vector<16xi32>
        %parallel_loop3A_480 = arith.addi %parallel_loop3A_474, %parallel_loop3A_479 : vector<16xi32>
        %parallel_loop3A_481 = arith.select %parallel_loop3A_477, %parallel_loop3A_480, %parallel_loop3A_474 : vector<16xi1>, vector<16xi32>
        %parallel_loop3A_482 = vector.shape_cast %parallel_loop3A_481 : vector<16xi32> to vector<16x1xi32>
        %parallel_loop3A_483 = vector.shape_cast %parallel_loop3A_482 : vector<16x1xi32> to vector<16xi32>
        %parallel_loop3A_484 = tpu.dynamic_gather %parallel_loop3A_58[%parallel_loop3A_483] in [0] : vector<16xf32>, vector<16xi32> -> vector<16xf32>
        %parallel_loop3A_485 = arith.index_cast %parallel_loop3A_467 : i32 to index
        %parallel_loop3A_486 = memref.load %arg9[%parallel_loop3A_485] : memref<512xi32, #tpu.memory_space<smem>>
        %parallel_loop3A_487 = arith.mulf %parallel_loop3A_472, %parallel_loop3A_484 : vector<16xf32>
        %parallel_loop3A_488 = arith.index_cast %parallel_loop3A_486 : i32 to index
        %parallel_loop3A_489 = arith.constant 0 : index
        %parallel_loop3A_490 = tpu.vector_load %arg11[%parallel_loop3A_488, %parallel_loop3A_489] {strides = array<i32>} : memref<3072x16xf32, #tpu.memory_space<vmem>>, vector<16xf32>,
        tpu.vector_store %arg11[%parallel_loop3A_488, %parallel_loop3A_489], %parallel_loop3A_487 {add = true, strides = array<i32>} : memref<3072x16xf32, #tpu.memory_space<vmem>>, vector<16xf32>,
      } {sc.loop_unroll_factor = 2 : i64, sc.parallel_access}
    }
    %scan3A_47 = arith.constant 96 : i32
    %mul3A = arith.constant 16 : i32
    %mul3A_48 = arith.muli %select_n3A_28, %mul3A : i32
    "tpu.region"() ({
      %run_scoped3A = tpu.sem_alloc : memref<!tpu.dma_semaphore, #tpu.memory_space<semaphore_mem>>
      %dma_start3A = arith.constant 0 : i32
      %dma_start3A_49 = tpu.memref_slice %arg6[%arg0, %select_n3A, %dma_start3A, %mul3A_48] : memref<2x4x3072x64xf32, #tpu.memory_space<hbm>> -> memref<1x1x3072x16xf32, #tpu.memory_space<hbm>>
      %dma_start3A_50 = tpu.memref_squeeze %dma_start3A_49 : memref<1x1x3072x16xf32, #tpu.memory_space<hbm>> -> memref<3072x16xf32, #tpu.memory_space<hbm>>
      %dma_start3A_51 = arith.constant 0 : i32
      %dma_start3A_52 = tpu.memref_slice %arg6[%arg0, %select_n3A, %dma_start3A_51, %mul3A_48] : memref<2x4x3072x64xf32, #tpu.memory_space<hbm>> -> memref<1x1x3072x16xf32, #tpu.memory_space<hbm>>
      %dma_start3A_53 = tpu.memref_squeeze %dma_start3A_52 : memref<1x1x3072x16xf32, #tpu.memory_space<hbm>> -> memref<3072x16xf32, #tpu.memory_space<hbm>>
      tpu.enqueue_dma source(%arg11 : memref<3072x16xf32, #tpu.memory_space<vmem>>) target(%dma_start3A_53 : memref<3072x16xf32, #tpu.memory_space<hbm>>) target_semaphore(%run_scoped3A : memref<!tpu.dma_semaphore, #tpu.memory_space<semaphore_mem>>)
      %dma_wait3A = arith.constant 0 : i32
      %dma_wait3A_54 = tpu.memref_slice %arg6[%arg0, %select_n3A, %dma_wait3A, %mul3A_48] : memref<2x4x3072x64xf32, #tpu.memory_space<hbm>> -> memref<1x1x3072x16xf32, #tpu.memory_space<hbm>>
      %dma_wait3A_55 = tpu.memref_squeeze %dma_wait3A_54 : memref<1x1x3072x16xf32, #tpu.memory_space<hbm>> -> memref<3072x16xf32, #tpu.memory_space<hbm>>
      %dma_wait3A_56 = arith.constant 0 : i32
      %dma_wait3A_57 = tpu.memref_slice %arg6[%arg0, %select_n3A, %dma_wait3A_56, %mul3A_48] : memref<2x4x3072x64xf32, #tpu.memory_space<hbm>> -> memref<1x1x3072x16xf32, #tpu.memory_space<hbm>>
      %dma_wait3A_58 = tpu.memref_squeeze %dma_wait3A_57 : memref<1x1x3072x16xf32, #tpu.memory_space<hbm>> -> memref<3072x16xf32, #tpu.memory_space<hbm>>
      tpu.wait_dma2 semaphore(%run_scoped3A : memref<!tpu.dma_semaphore, #tpu.memory_space<semaphore_mem>>) src(%arg11 : memref<3072x16xf32, #tpu.memory_space<vmem>>) dst(%dma_wait3A_58 : memref<3072x16xf32, #tpu.memory_space<hbm>>)
      tpu.yield
    }) : () -> ()
    return
  }
}

module attributes {stable_mosaic.version = 14 : i64} {
  func.func @_dft_body(%arg0: i32, %arg1: memref<1536x64xf32, #tpu.memory_space<vmem>>, %arg2: memref<64x64xf32, #tpu.memory_space<vmem>>, %arg3: memref<64x64xf32, #tpu.memory_space<vmem>>, %arg4: memref<1536x64xf32, #tpu.memory_space<vmem>>, %arg5: memref<1536x64xf32, #tpu.memory_space<vmem>>) attributes {dimension_semantics = [#tpu.dimension_semantics<arbitrary>], iteration_bounds = array<i64: 8>, scalar_prefetch = 0 : i64, scratch_operands = 0 : i64, tpu.core_type = #tpu.core_type<tc>, window_params = [{transform_indices = @transform_0, window_bounds = array<i64: 1536, 64>}, {pipeline_mode = #tpu.pipeline_mode<synchronous>, transform_indices = @transform_1, window_bounds = array<i64: 64, 64>}, {pipeline_mode = #tpu.pipeline_mode<synchronous>, transform_indices = @transform_2, window_bounds = array<i64: 64, 64>}, {transform_indices = @transform_3, window_bounds = array<i64: 1536, 64>}, {transform_indices = @transform_4, window_bounds = array<i64: 1536, 64>}]} {
    %get3A = arith.constant 0 : index
    %get3A_0 = arith.constant 0 : index
    %get3A_1 = vector.load %arg1[%get3A, %get3A_0] : memref<1536x64xf32, #tpu.memory_space<vmem>>, vector<1536x64xf32>
    %get3A_2 = arith.constant 0 : index
    %get3A_3 = arith.constant 0 : index
    %get3A_4 = vector.load %arg2[%get3A_2, %get3A_3] : memref<64x64xf32, #tpu.memory_space<vmem>>, vector<64x64xf32>
    %dot_general3A = arith.constant dense<0.000000e+00> : vector<1536x64xf32>
    %dot_general3A_5 = tpu.matmul %get3A_1, %get3A_4, %dot_general3A {dimension_numbers = #tpu.dot_dimension_numbers<[1], [0], [0], [1], [0, 0, 1, 1], [], []>, transpose_lhs_hint = false} : vector<1536x64xf32>, vector<64x64xf32>, vector<1536x64xf32> -> vector<1536x64xf32>
    %swap3A = arith.constant 0 : index
    %swap3A_6 = arith.constant 0 : index
    %swap3A_7 = vector.load %arg4[%swap3A, %swap3A_6] : memref<1536x64xf32, #tpu.memory_space<vmem>>, vector<1536x64xf32>
    tpu.vector_store %arg4[%swap3A, %swap3A_6], %dot_general3A_5 {strides = array<i32>} : memref<1536x64xf32, #tpu.memory_space<vmem>>, vector<1536x64xf32>,
    %get3A_8 = arith.constant 0 : index
    %get3A_9 = arith.constant 0 : index
    %get3A_10 = vector.load %arg3[%get3A_8, %get3A_9] : memref<64x64xf32, #tpu.memory_space<vmem>>, vector<64x64xf32>
    %dot_general3A_11 = arith.constant dense<0.000000e+00> : vector<1536x64xf32>
    %dot_general3A_12 = tpu.matmul %get3A_1, %get3A_10, %dot_general3A_11 {dimension_numbers = #tpu.dot_dimension_numbers<[1], [0], [0], [1], [0, 0, 1, 1], [], []>, transpose_lhs_hint = false} : vector<1536x64xf32>, vector<64x64xf32>, vector<1536x64xf32> -> vector<1536x64xf32>
    %swap3A_13 = arith.constant 0 : index
    %swap3A_14 = arith.constant 0 : index
    %swap3A_15 = vector.load %arg5[%swap3A_13, %swap3A_14] : memref<1536x64xf32, #tpu.memory_space<vmem>>, vector<1536x64xf32>
    tpu.vector_store %arg5[%swap3A_13, %swap3A_14], %dot_general3A_12 {strides = array<i32>} : memref<1536x64xf32, #tpu.memory_space<vmem>>, vector<1536x64xf32>,
    return
  }
  func.func @transform_0(%arg0: i32) -> (i32, i32) {
    %c0_i32 = arith.constant 0 : i32
    %c0_i32_0 = arith.constant 0 : i32
    return %arg0, %c0_i32 : i32, i32
  }
  func.func @transform_1(%arg0: i32) -> (i32, i32) {
    %c0_i32 = arith.constant 0 : i32
    %c0_i32_0 = arith.constant 0 : i32
    %c0_i32_1 = arith.constant 0 : i32
    return %c0_i32, %c0_i32_0 : i32, i32
  }
  func.func @transform_2(%arg0: i32) -> (i32, i32) {
    %c0_i32 = arith.constant 0 : i32
    %c0_i32_0 = arith.constant 0 : i32
    %c0_i32_1 = arith.constant 0 : i32
    return %c0_i32, %c0_i32_0 : i32, i32
  }
  func.func @transform_3(%arg0: i32) -> (i32, i32) {
    %c0_i32 = arith.constant 0 : i32
    %c0_i32_0 = arith.constant 0 : i32
    return %arg0, %c0_i32 : i32, i32
  }
  func.func @transform_4(%arg0: i32) -> (i32, i32) {
    %c0_i32 = arith.constant 0 : i32
    %c0_i32_0 = arith.constant 0 : i32
    return %arg0, %c0_i32 : i32, i32
  }
}

module attributes {stable_mosaic.version = 14 : i64} {
  func.func @_glu_body(%arg0: i32, %arg1: memref<48x4096xf32, #tpu.memory_space<vmem>>, %arg2: memref<48x4096xf32, #tpu.memory_space<vmem>>, %arg3: memref<48x48xf32, #tpu.memory_space<vmem>>, %arg4: memref<48x48xf32, #tpu.memory_space<vmem>>, %arg5: memref<240x48xf32, #tpu.memory_space<vmem>>, %arg6: memref<240x1xf32, #tpu.memory_space<vmem>>, %arg7: memref<240x48xf32, #tpu.memory_space<vmem>>, %arg8: memref<240x1xf32, #tpu.memory_space<vmem>>, %arg9: memref<240x240xf32, #tpu.memory_space<vmem>>, %arg10: memref<240x1xf32, #tpu.memory_space<vmem>>, %arg11: memref<240x240xf32, #tpu.memory_space<vmem>>, %arg12: memref<240x1xf32, #tpu.memory_space<vmem>>, %arg13: memref<48x240xf32, #tpu.memory_space<vmem>>, %arg14: memref<48x1xf32, #tpu.memory_space<vmem>>, %arg15: memref<48x240xf32, #tpu.memory_space<vmem>>, %arg16: memref<48x1xf32, #tpu.memory_space<vmem>>, %arg17: memref<240x48xf32, #tpu.memory_space<vmem>>, %arg18: memref<240x1xf32, #tpu.memory_space<vmem>>, %arg19: memref<240x48xf32, #tpu.memory_space<vmem>>, %arg20: memref<240x1xf32, #tpu.memory_space<vmem>>, %arg21: memref<240x240xf32, #tpu.memory_space<vmem>>, %arg22: memref<240x1xf32, #tpu.memory_space<vmem>>, %arg23: memref<240x240xf32, #tpu.memory_space<vmem>>, %arg24: memref<240x1xf32, #tpu.memory_space<vmem>>, %arg25: memref<48x240xf32, #tpu.memory_space<vmem>>, %arg26: memref<48x1xf32, #tpu.memory_space<vmem>>, %arg27: memref<48x240xf32, #tpu.memory_space<vmem>>, %arg28: memref<48x1xf32, #tpu.memory_space<vmem>>, %arg29: memref<48x4096xf32, #tpu.memory_space<vmem>>) attributes {dimension_semantics = [#tpu.dimension_semantics<arbitrary>], iteration_bounds = array<i64: 4>, scalar_prefetch = 0 : i64, scratch_operands = 0 : i64, tpu.core_type = #tpu.core_type<tc>, window_params = [{transform_indices = @transform_0, window_bounds = array<i64: 48, 4096>}, {transform_indices = @transform_1, window_bounds = array<i64: 48, 4096>}, {pipeline_mode = #tpu.pipeline_mode<synchronous>, transform_indices = @transform_2, window_bounds = array<i64: 48, 48>}, {pipeline_mode = #tpu.pipeline_mode<synchronous>, transform_indices = @transform_3, window_bounds = array<i64: 48, 48>}, {pipeline_mode = #tpu.pipeline_mode<synchronous>, transform_indices = @transform_4, window_bounds = array<i64: 240, 48>}, {pipeline_mode = #tpu.pipeline_mode<synchronous>, transform_indices = @transform_5, window_bounds = array<i64: 240, 1>}, {pipeline_mode = #tpu.pipeline_mode<synchronous>, transform_indices = @transform_6, window_bounds = array<i64: 240, 48>}, {pipeline_mode = #tpu.pipeline_mode<synchronous>, transform_indices = @transform_7, window_bounds = array<i64: 240, 1>}, {pipeline_mode = #tpu.pipeline_mode<synchronous>, transform_indices = @transform_8, window_bounds = array<i64: 240, 240>}, {pipeline_mode = #tpu.pipeline_mode<synchronous>, transform_indices = @transform_9, window_bounds = array<i64: 240, 1>}, {pipeline_mode = #tpu.pipeline_mode<synchronous>, transform_indices = @transform_10, window_bounds = array<i64: 240, 240>}, {pipeline_mode = #tpu.pipeline_mode<synchronous>, transform_indices = @transform_11, window_bounds = array<i64: 240, 1>}, {pipeline_mode = #tpu.pipeline_mode<synchronous>, transform_indices = @transform_12, window_bounds = array<i64: 48, 240>}, {pipeline_mode = #tpu.pipeline_mode<synchronous>, transform_indices = @transform_13, window_bounds = array<i64: 48, 1>}, {pipeline_mode = #tpu.pipeline_mode<synchronous>, transform_indices = @transform_14, window_bounds = array<i64: 48, 240>}, {pipeline_mode = #tpu.pipeline_mode<synchronous>, transform_indices = @transform_15, window_bounds = array<i64: 48, 1>}, {pipeline_mode = #tpu.pipeline_mode<synchronous>, transform_indices = @transform_16, window_bounds = array<i64: 240, 48>}, {pipeline_mode = #tpu.pipeline_mode<synchronous>, transform_indices = @transform_17, window_bounds = array<i64: 240, 1>}, {pipeline_mode = #tpu.pipeline_mode<synchronous>, transform_indices = @transform_18, window_bounds = array<i64: 240, 48>}, {pipeline_mode = #tpu.pipeline_mode<synchronous>, transform_indices = @transform_19, window_bounds = array<i64: 240, 1>}, {pipeline_mode = #tpu.pipeline_mode<synchronous>, transform_indices = @transform_20, window_bounds = array<i64: 240, 240>}, {pipeline_mode = #tpu.pipeline_mode<synchronous>, transform_indices = @transform_21, window_bounds = array<i64: 240, 1>}, {pipeline_mode = #tpu.pipeline_mode<synchronous>, transform_indices = @transform_22, window_bounds = array<i64: 240, 240>}, {pipeline_mode = #tpu.pipeline_mode<synchronous>, transform_indices = @transform_23, window_bounds = array<i64: 240, 1>}, {pipeline_mode = #tpu.pipeline_mode<synchronous>, transform_indices = @transform_24, window_bounds = array<i64: 48, 240>}, {pipeline_mode = #tpu.pipeline_mode<synchronous>, transform_indices = @transform_25, window_bounds = array<i64: 48, 1>}, {pipeline_mode = #tpu.pipeline_mode<synchronous>, transform_indices = @transform_26, window_bounds = array<i64: 48, 240>}, {pipeline_mode = #tpu.pipeline_mode<synchronous>, transform_indices = @transform_27, window_bounds = array<i64: 48, 1>}, {transform_indices = @transform_28, window_bounds = array<i64: 48, 4096>}]} {
    %get3A = arith.constant 0 : index
    %get3A_0 = arith.constant 0 : index
    %get3A_1 = vector.load %arg1[%get3A, %get3A_0] : memref<48x4096xf32, #tpu.memory_space<vmem>>, vector<48x4096xf32>
    %get3A_2 = arith.constant 0 : index
    %get3A_3 = arith.constant 0 : index
    %get3A_4 = vector.load %arg5[%get3A_2, %get3A_3] : memref<240x48xf32, #tpu.memory_space<vmem>>, vector<240x48xf32>
    %get3A_5 = arith.constant 0 : index
    %get3A_6 = arith.constant 0 : index
    %get3A_7 = vector.load %arg6[%get3A_5, %get3A_6] : memref<240x1xf32, #tpu.memory_space<vmem>>, vector<240x1xf32>
    %get3A_8 = arith.constant 0 : index
    %get3A_9 = arith.constant 0 : index
    %get3A_10 = vector.load %arg7[%get3A_8, %get3A_9] : memref<240x48xf32, #tpu.memory_space<vmem>>, vector<240x48xf32>
    %get3A_11 = arith.constant 0 : index
    %get3A_12 = arith.constant 0 : index
    %get3A_13 = vector.load %arg8[%get3A_11, %get3A_12] : memref<240x1xf32, #tpu.memory_space<vmem>>, vector<240x1xf32>
    %dot_general3A = arith.constant dense<0.000000e+00> : vector<240x4096xf32>
    %dot_general3A_14 = tpu.matmul %get3A_4, %get3A_1, %dot_general3A {dimension_numbers = #tpu.dot_dimension_numbers<[1], [0], [0], [1], [0, 0, 1, 1], [], []>, transpose_lhs_hint = false} : vector<240x48xf32>, vector<48x4096xf32>, vector<240x4096xf32> -> vector<240x4096xf32>
    %add3A = vector.broadcast %get3A_7 : vector<240x1xf32> to vector<240x4096xf32>
    %add3A_15 = arith.addf %dot_general3A_14, %add3A : vector<240x4096xf32>
    %dot_general3A_16 = arith.constant dense<0.000000e+00> : vector<240x4096xf32>
    %dot_general3A_17 = tpu.matmul %get3A_10, %get3A_1, %dot_general3A_16 {dimension_numbers = #tpu.dot_dimension_numbers<[1], [0], [0], [1], [0, 0, 1, 1], [], []>, transpose_lhs_hint = false} : vector<240x48xf32>, vector<48x4096xf32>, vector<240x4096xf32> -> vector<240x4096xf32>
    %add3A_18 = vector.broadcast %get3A_13 : vector<240x1xf32> to vector<240x4096xf32>
    %add3A_19 = arith.addf %dot_general3A_17, %add3A_18 : vector<240x4096xf32>
    %neg3A = arith.constant 0.000000e+00 : f32
    %neg3A_20 = vector.broadcast %neg3A : f32 to vector<240x4096xf32>
    %neg3A_21 = arith.subf %neg3A_20, %add3A_19 : vector<240x4096xf32>
    %exp3A = math.exp %neg3A_21 : vector<240x4096xf32>
    %add3A_22 = arith.constant 1.000000e+00 : f32
    %add3A_23 = vector.broadcast %add3A_22 : f32 to vector<240x4096xf32>
    %add3A_24 = arith.addf %add3A_23, %exp3A : vector<240x4096xf32>
    %div3A = arith.constant 1.000000e+00 : f32
    %div3A_25 = vector.broadcast %div3A : f32 to vector<240x4096xf32>
    %div3A_26 = arith.divf %div3A_25, %add3A_24 : vector<240x4096xf32>
    %mul3A = arith.mulf %add3A_15, %div3A_26 : vector<240x4096xf32>
    %get3A_27 = arith.constant 0 : index
    %get3A_28 = arith.constant 0 : index
    %get3A_29 = vector.load %arg9[%get3A_27, %get3A_28] : memref<240x240xf32, #tpu.memory_space<vmem>>, vector<240x240xf32>
    %get3A_30 = arith.constant 0 : index
    %get3A_31 = arith.constant 0 : index
    %get3A_32 = vector.load %arg10[%get3A_30, %get3A_31] : memref<240x1xf32, #tpu.memory_space<vmem>>, vector<240x1xf32>
    %get3A_33 = arith.constant 0 : index
    %get3A_34 = arith.constant 0 : index
    %get3A_35 = vector.load %arg11[%get3A_33, %get3A_34] : memref<240x240xf32, #tpu.memory_space<vmem>>, vector<240x240xf32>
    %get3A_36 = arith.constant 0 : index
    %get3A_37 = arith.constant 0 : index
    %get3A_38 = vector.load %arg12[%get3A_36, %get3A_37] : memref<240x1xf32, #tpu.memory_space<vmem>>, vector<240x1xf32>
    %dot_general3A_39 = arith.constant dense<0.000000e+00> : vector<240x4096xf32>
    %dot_general3A_40 = tpu.matmul %get3A_29, %mul3A, %dot_general3A_39 {dimension_numbers = #tpu.dot_dimension_numbers<[1], [0], [0], [1], [0, 0, 1, 1], [], []>, transpose_lhs_hint = false} : vector<240x240xf32>, vector<240x4096xf32>, vector<240x4096xf32> -> vector<240x4096xf32>
    %add3A_41 = vector.broadcast %get3A_32 : vector<240x1xf32> to vector<240x4096xf32>
    %add3A_42 = arith.addf %dot_general3A_40, %add3A_41 : vector<240x4096xf32>
    %dot_general3A_43 = arith.constant dense<0.000000e+00> : vector<240x4096xf32>
    %dot_general3A_44 = tpu.matmul %get3A_35, %mul3A, %dot_general3A_43 {dimension_numbers = #tpu.dot_dimension_numbers<[1], [0], [0], [1], [0, 0, 1, 1], [], []>, transpose_lhs_hint = false} : vector<240x240xf32>, vector<240x4096xf32>, vector<240x4096xf32> -> vector<240x4096xf32>
    %add3A_45 = vector.broadcast %get3A_38 : vector<240x1xf32> to vector<240x4096xf32>
    %add3A_46 = arith.addf %dot_general3A_44, %add3A_45 : vector<240x4096xf32>
    %neg3A_47 = arith.constant 0.000000e+00 : f32
    %neg3A_48 = vector.broadcast %neg3A_47 : f32 to vector<240x4096xf32>
    %neg3A_49 = arith.subf %neg3A_48, %add3A_46 : vector<240x4096xf32>
    %exp3A_50 = math.exp %neg3A_49 : vector<240x4096xf32>
    %add3A_51 = arith.constant 1.000000e+00 : f32
    %add3A_52 = vector.broadcast %add3A_51 : f32 to vector<240x4096xf32>
    %add3A_53 = arith.addf %add3A_52, %exp3A_50 : vector<240x4096xf32>
    %div3A_54 = arith.constant 1.000000e+00 : f32
    %div3A_55 = vector.broadcast %div3A_54 : f32 to vector<240x4096xf32>
    %div3A_56 = arith.divf %div3A_55, %add3A_53 : vector<240x4096xf32>
    %mul3A_57 = arith.mulf %add3A_42, %div3A_56 : vector<240x4096xf32>
    %get3A_58 = arith.constant 0 : index
    %get3A_59 = arith.constant 0 : index
    %get3A_60 = vector.load %arg13[%get3A_58, %get3A_59] : memref<48x240xf32, #tpu.memory_space<vmem>>, vector<48x240xf32>
    %get3A_61 = arith.constant 0 : index
    %get3A_62 = arith.constant 0 : index
    %get3A_63 = vector.load %arg14[%get3A_61, %get3A_62] : memref<48x1xf32, #tpu.memory_space<vmem>>, vector<48x1xf32>
    %get3A_64 = arith.constant 0 : index
    %get3A_65 = arith.constant 0 : index
    %get3A_66 = vector.load %arg15[%get3A_64, %get3A_65] : memref<48x240xf32, #tpu.memory_space<vmem>>, vector<48x240xf32>
    %get3A_67 = arith.constant 0 : index
    %get3A_68 = arith.constant 0 : index
    %get3A_69 = vector.load %arg16[%get3A_67, %get3A_68] : memref<48x1xf32, #tpu.memory_space<vmem>>, vector<48x1xf32>
    %dot_general3A_70 = arith.constant dense<0.000000e+00> : vector<48x4096xf32>
    %dot_general3A_71 = tpu.matmul %get3A_60, %mul3A_57, %dot_general3A_70 {dimension_numbers = #tpu.dot_dimension_numbers<[1], [0], [0], [1], [0, 0, 1, 1], [], []>, transpose_lhs_hint = false} : vector<48x240xf32>, vector<240x4096xf32>, vector<48x4096xf32> -> vector<48x4096xf32>
    %add3A_72 = vector.broadcast %get3A_63 : vector<48x1xf32> to vector<48x4096xf32>
    %add3A_73 = arith.addf %dot_general3A_71, %add3A_72 : vector<48x4096xf32>
    %dot_general3A_74 = arith.constant dense<0.000000e+00> : vector<48x4096xf32>
    %dot_general3A_75 = tpu.matmul %get3A_66, %mul3A_57, %dot_general3A_74 {dimension_numbers = #tpu.dot_dimension_numbers<[1], [0], [0], [1], [0, 0, 1, 1], [], []>, transpose_lhs_hint = false} : vector<48x240xf32>, vector<240x4096xf32>, vector<48x4096xf32> -> vector<48x4096xf32>
    %add3A_76 = vector.broadcast %get3A_69 : vector<48x1xf32> to vector<48x4096xf32>
    %add3A_77 = arith.addf %dot_general3A_75, %add3A_76 : vector<48x4096xf32>
    %neg3A_78 = arith.constant 0.000000e+00 : f32
    %neg3A_79 = vector.broadcast %neg3A_78 : f32 to vector<48x4096xf32>
    %neg3A_80 = arith.subf %neg3A_79, %add3A_77 : vector<48x4096xf32>
    %exp3A_81 = math.exp %neg3A_80 : vector<48x4096xf32>
    %add3A_82 = arith.constant 1.000000e+00 : f32
    %add3A_83 = vector.broadcast %add3A_82 : f32 to vector<48x4096xf32>
    %add3A_84 = arith.addf %add3A_83, %exp3A_81 : vector<48x4096xf32>
    %div3A_85 = arith.constant 1.000000e+00 : f32
    %div3A_86 = vector.broadcast %div3A_85 : f32 to vector<48x4096xf32>
    %div3A_87 = arith.divf %div3A_86, %add3A_84 : vector<48x4096xf32>
    %mul3A_88 = arith.mulf %add3A_73, %div3A_87 : vector<48x4096xf32>
    %get3A_89 = arith.constant 0 : index
    %get3A_90 = arith.constant 0 : index
    %get3A_91 = vector.load %arg2[%get3A_89, %get3A_90] : memref<48x4096xf32, #tpu.memory_space<vmem>>, vector<48x4096xf32>
    %get3A_92 = arith.constant 0 : index
    %get3A_93 = arith.constant 0 : index
    %get3A_94 = vector.load %arg17[%get3A_92, %get3A_93] : memref<240x48xf32, #tpu.memory_space<vmem>>, vector<240x48xf32>
    %get3A_95 = arith.constant 0 : index
    %get3A_96 = arith.constant 0 : index
    %get3A_97 = vector.load %arg18[%get3A_95, %get3A_96] : memref<240x1xf32, #tpu.memory_space<vmem>>, vector<240x1xf32>
    %get3A_98 = arith.constant 0 : index
    %get3A_99 = arith.constant 0 : index
    %get3A_100 = vector.load %arg19[%get3A_98, %get3A_99] : memref<240x48xf32, #tpu.memory_space<vmem>>, vector<240x48xf32>
    %get3A_101 = arith.constant 0 : index
    %get3A_102 = arith.constant 0 : index
    %get3A_103 = vector.load %arg20[%get3A_101, %get3A_102] : memref<240x1xf32, #tpu.memory_space<vmem>>, vector<240x1xf32>
    %dot_general3A_104 = arith.constant dense<0.000000e+00> : vector<240x4096xf32>
    %dot_general3A_105 = tpu.matmul %get3A_94, %get3A_91, %dot_general3A_104 {dimension_numbers = #tpu.dot_dimension_numbers<[1], [0], [0], [1], [0, 0, 1, 1], [], []>, transpose_lhs_hint = false} : vector<240x48xf32>, vector<48x4096xf32>, vector<240x4096xf32> -> vector<240x4096xf32>
    %add3A_106 = vector.broadcast %get3A_97 : vector<240x1xf32> to vector<240x4096xf32>
    %add3A_107 = arith.addf %dot_general3A_105, %add3A_106 : vector<240x4096xf32>
    %dot_general3A_108 = arith.constant dense<0.000000e+00> : vector<240x4096xf32>
    %dot_general3A_109 = tpu.matmul %get3A_100, %get3A_91, %dot_general3A_108 {dimension_numbers = #tpu.dot_dimension_numbers<[1], [0], [0], [1], [0, 0, 1, 1], [], []>, transpose_lhs_hint = false} : vector<240x48xf32>, vector<48x4096xf32>, vector<240x4096xf32> -> vector<240x4096xf32>
    %add3A_110 = vector.broadcast %get3A_103 : vector<240x1xf32> to vector<240x4096xf32>
    %add3A_111 = arith.addf %dot_general3A_109, %add3A_110 : vector<240x4096xf32>
    %neg3A_112 = arith.constant 0.000000e+00 : f32
    %neg3A_113 = vector.broadcast %neg3A_112 : f32 to vector<240x4096xf32>
    %neg3A_114 = arith.subf %neg3A_113, %add3A_111 : vector<240x4096xf32>
    %exp3A_115 = math.exp %neg3A_114 : vector<240x4096xf32>
    %add3A_116 = arith.constant 1.000000e+00 : f32
    %add3A_117 = vector.broadcast %add3A_116 : f32 to vector<240x4096xf32>
    %add3A_118 = arith.addf %add3A_117, %exp3A_115 : vector<240x4096xf32>
    %div3A_119 = arith.constant 1.000000e+00 : f32
    %div3A_120 = vector.broadcast %div3A_119 : f32 to vector<240x4096xf32>
    %div3A_121 = arith.divf %div3A_120, %add3A_118 : vector<240x4096xf32>
    %mul3A_122 = arith.mulf %add3A_107, %div3A_121 : vector<240x4096xf32>
    %get3A_123 = arith.constant 0 : index
    %get3A_124 = arith.constant 0 : index
    %get3A_125 = vector.load %arg21[%get3A_123, %get3A_124] : memref<240x240xf32, #tpu.memory_space<vmem>>, vector<240x240xf32>
    %get3A_126 = arith.constant 0 : index
    %get3A_127 = arith.constant 0 : index
    %get3A_128 = vector.load %arg22[%get3A_126, %get3A_127] : memref<240x1xf32, #tpu.memory_space<vmem>>, vector<240x1xf32>
    %get3A_129 = arith.constant 0 : index
    %get3A_130 = arith.constant 0 : index
    %get3A_131 = vector.load %arg23[%get3A_129, %get3A_130] : memref<240x240xf32, #tpu.memory_space<vmem>>, vector<240x240xf32>
    %get3A_132 = arith.constant 0 : index
    %get3A_133 = arith.constant 0 : index
    %get3A_134 = vector.load %arg24[%get3A_132, %get3A_133] : memref<240x1xf32, #tpu.memory_space<vmem>>, vector<240x1xf32>
    %dot_general3A_135 = arith.constant dense<0.000000e+00> : vector<240x4096xf32>
    %dot_general3A_136 = tpu.matmul %get3A_125, %mul3A_122, %dot_general3A_135 {dimension_numbers = #tpu.dot_dimension_numbers<[1], [0], [0], [1], [0, 0, 1, 1], [], []>, transpose_lhs_hint = false} : vector<240x240xf32>, vector<240x4096xf32>, vector<240x4096xf32> -> vector<240x4096xf32>
    %add3A_137 = vector.broadcast %get3A_128 : vector<240x1xf32> to vector<240x4096xf32>
    %add3A_138 = arith.addf %dot_general3A_136, %add3A_137 : vector<240x4096xf32>
    %dot_general3A_139 = arith.constant dense<0.000000e+00> : vector<240x4096xf32>
    %dot_general3A_140 = tpu.matmul %get3A_131, %mul3A_122, %dot_general3A_139 {dimension_numbers = #tpu.dot_dimension_numbers<[1], [0], [0], [1], [0, 0, 1, 1], [], []>, transpose_lhs_hint = false} : vector<240x240xf32>, vector<240x4096xf32>, vector<240x4096xf32> -> vector<240x4096xf32>
    %add3A_141 = vector.broadcast %get3A_134 : vector<240x1xf32> to vector<240x4096xf32>
    %add3A_142 = arith.addf %dot_general3A_140, %add3A_141 : vector<240x4096xf32>
    %neg3A_143 = arith.constant 0.000000e+00 : f32
    %neg3A_144 = vector.broadcast %neg3A_143 : f32 to vector<240x4096xf32>
    %neg3A_145 = arith.subf %neg3A_144, %add3A_142 : vector<240x4096xf32>
    %exp3A_146 = math.exp %neg3A_145 : vector<240x4096xf32>
    %add3A_147 = arith.constant 1.000000e+00 : f32
    %add3A_148 = vector.broadcast %add3A_147 : f32 to vector<240x4096xf32>
    %add3A_149 = arith.addf %add3A_148, %exp3A_146 : vector<240x4096xf32>
    %div3A_150 = arith.constant 1.000000e+00 : f32
    %div3A_151 = vector.broadcast %div3A_150 : f32 to vector<240x4096xf32>
    %div3A_152 = arith.divf %div3A_151, %add3A_149 : vector<240x4096xf32>
    %mul3A_153 = arith.mulf %add3A_138, %div3A_152 : vector<240x4096xf32>
    %get3A_154 = arith.constant 0 : index
    %get3A_155 = arith.constant 0 : index
    %get3A_156 = vector.load %arg25[%get3A_154, %get3A_155] : memref<48x240xf32, #tpu.memory_space<vmem>>, vector<48x240xf32>
    %get3A_157 = arith.constant 0 : index
    %get3A_158 = arith.constant 0 : index
    %get3A_159 = vector.load %arg26[%get3A_157, %get3A_158] : memref<48x1xf32, #tpu.memory_space<vmem>>, vector<48x1xf32>
    %get3A_160 = arith.constant 0 : index
    %get3A_161 = arith.constant 0 : index
    %get3A_162 = vector.load %arg27[%get3A_160, %get3A_161] : memref<48x240xf32, #tpu.memory_space<vmem>>, vector<48x240xf32>
    %get3A_163 = arith.constant 0 : index
    %get3A_164 = arith.constant 0 : index
    %get3A_165 = vector.load %arg28[%get3A_163, %get3A_164] : memref<48x1xf32, #tpu.memory_space<vmem>>, vector<48x1xf32>
    %dot_general3A_166 = arith.constant dense<0.000000e+00> : vector<48x4096xf32>
    %dot_general3A_167 = tpu.matmul %get3A_156, %mul3A_153, %dot_general3A_166 {dimension_numbers = #tpu.dot_dimension_numbers<[1], [0], [0], [1], [0, 0, 1, 1], [], []>, transpose_lhs_hint = false} : vector<48x240xf32>, vector<240x4096xf32>, vector<48x4096xf32> -> vector<48x4096xf32>
    %add3A_168 = vector.broadcast %get3A_159 : vector<48x1xf32> to vector<48x4096xf32>
    %add3A_169 = arith.addf %dot_general3A_167, %add3A_168 : vector<48x4096xf32>
    %dot_general3A_170 = arith.constant dense<0.000000e+00> : vector<48x4096xf32>
    %dot_general3A_171 = tpu.matmul %get3A_162, %mul3A_153, %dot_general3A_170 {dimension_numbers = #tpu.dot_dimension_numbers<[1], [0], [0], [1], [0, 0, 1, 1], [], []>, transpose_lhs_hint = false} : vector<48x240xf32>, vector<240x4096xf32>, vector<48x4096xf32> -> vector<48x4096xf32>
    %add3A_172 = vector.broadcast %get3A_165 : vector<48x1xf32> to vector<48x4096xf32>
    %add3A_173 = arith.addf %dot_general3A_171, %add3A_172 : vector<48x4096xf32>
    %neg3A_174 = arith.constant 0.000000e+00 : f32
    %neg3A_175 = vector.broadcast %neg3A_174 : f32 to vector<48x4096xf32>
    %neg3A_176 = arith.subf %neg3A_175, %add3A_173 : vector<48x4096xf32>
    %exp3A_177 = math.exp %neg3A_176 : vector<48x4096xf32>
    %add3A_178 = arith.constant 1.000000e+00 : f32
    %add3A_179 = vector.broadcast %add3A_178 : f32 to vector<48x4096xf32>
    %add3A_180 = arith.addf %add3A_179, %exp3A_177 : vector<48x4096xf32>
    %div3A_181 = arith.constant 1.000000e+00 : f32
    %div3A_182 = vector.broadcast %div3A_181 : f32 to vector<48x4096xf32>
    %div3A_183 = arith.divf %div3A_182, %add3A_180 : vector<48x4096xf32>
    %mul3A_184 = arith.mulf %add3A_169, %div3A_183 : vector<48x4096xf32>
    %get3A_185 = arith.constant 0 : index
    %get3A_186 = arith.constant 0 : index
    %get3A_187 = vector.load %arg3[%get3A_185, %get3A_186] : memref<48x48xf32, #tpu.memory_space<vmem>>, vector<48x48xf32>
    %dot_general3A_188 = arith.constant dense<0.000000e+00> : vector<48x4096xf32>
    %dot_general3A_189 = tpu.matmul %get3A_187, %mul3A_88, %dot_general3A_188 {dimension_numbers = #tpu.dot_dimension_numbers<[1], [0], [0], [1], [0, 0, 1, 1], [], []>, transpose_lhs_hint = false} : vector<48x48xf32>, vector<48x4096xf32>, vector<48x4096xf32> -> vector<48x4096xf32>
    %get3A_190 = arith.constant 0 : index
    %get3A_191 = arith.constant 0 : index
    %get3A_192 = vector.load %arg4[%get3A_190, %get3A_191] : memref<48x48xf32, #tpu.memory_space<vmem>>, vector<48x48xf32>
    %dot_general3A_193 = arith.constant dense<0.000000e+00> : vector<48x4096xf32>
    %dot_general3A_194 = tpu.matmul %get3A_192, %mul3A_184, %dot_general3A_193 {dimension_numbers = #tpu.dot_dimension_numbers<[1], [0], [0], [1], [0, 0, 1, 1], [], []>, transpose_lhs_hint = false} : vector<48x48xf32>, vector<48x4096xf32>, vector<48x4096xf32> -> vector<48x4096xf32>
    %add3A_195 = arith.addf %dot_general3A_189, %dot_general3A_194 : vector<48x4096xf32>
    %swap3A = arith.constant 0 : index
    %swap3A_196 = arith.constant 0 : index
    %swap3A_197 = vector.load %arg29[%swap3A, %swap3A_196] : memref<48x4096xf32, #tpu.memory_space<vmem>>, vector<48x4096xf32>
    tpu.vector_store %arg29[%swap3A, %swap3A_196], %add3A_195 {strides = array<i32>} : memref<48x4096xf32, #tpu.memory_space<vmem>>, vector<48x4096xf32>,
    return
  }
  func.func @transform_0(%arg0: i32) -> (i32, i32) {
    %c0_i32 = arith.constant 0 : i32
    %c0_i32_0 = arith.constant 0 : i32
    return %c0_i32, %arg0 : i32, i32
  }
  func.func @transform_1(%arg0: i32) -> (i32, i32) {
    %c0_i32 = arith.constant 0 : i32
    %c0_i32_0 = arith.constant 0 : i32
    return %c0_i32, %arg0 : i32, i32
  }
  func.func @transform_2(%arg0: i32) -> (i32, i32) {
    %c0_i32 = arith.constant 0 : i32
    %c0_i32_0 = arith.constant 0 : i32
    %c0_i32_1 = arith.constant 0 : i32
    return %c0_i32, %c0_i32_0 : i32, i32
  }
  func.func @transform_3(%arg0: i32) -> (i32, i32) {
    %c0_i32 = arith.constant 0 : i32
    %c0_i32_0 = arith.constant 0 : i32
    %c0_i32_1 = arith.constant 0 : i32
    return %c0_i32, %c0_i32_0 : i32, i32
  }
  func.func @transform_4(%arg0: i32) -> (i32, i32) {
    %c0_i32 = arith.constant 0 : i32
    %c0_i32_0 = arith.constant 0 : i32
    %c0_i32_1 = arith.constant 0 : i32
    return %c0_i32, %c0_i32_0 : i32, i32
  }
  func.func @transform_5(%arg0: i32) -> (i32, i32) {
    %c0_i32 = arith.constant 0 : i32
    %c0_i32_0 = arith.constant 0 : i32
    %c0_i32_1 = arith.constant 0 : i32
    return %c0_i32, %c0_i32_0 : i32, i32
  }
  func.func @transform_6(%arg0: i32) -> (i32, i32) {
    %c0_i32 = arith.constant 0 : i32
    %c0_i32_0 = arith.constant 0 : i32
    %c0_i32_1 = arith.constant 0 : i32
    return %c0_i32, %c0_i32_0 : i32, i32
  }
  func.func @transform_7(%arg0: i32) -> (i32, i32) {
    %c0_i32 = arith.constant 0 : i32
    %c0_i32_0 = arith.constant 0 : i32
    %c0_i32_1 = arith.constant 0 : i32
    return %c0_i32, %c0_i32_0 : i32, i32
  }
  func.func @transform_8(%arg0: i32) -> (i32, i32) {
    %c0_i32 = arith.constant 0 : i32
    %c0_i32_0 = arith.constant 0 : i32
    %c0_i32_1 = arith.constant 0 : i32
    return %c0_i32, %c0_i32_0 : i32, i32
  }
  func.func @transform_9(%arg0: i32) -> (i32, i32) {
    %c0_i32 = arith.constant 0 : i32
    %c0_i32_0 = arith.constant 0 : i32
    %c0_i32_1 = arith.constant 0 : i32
    return %c0_i32, %c0_i32_0 : i32, i32
  }
  func.func @transform_10(%arg0: i32) -> (i32, i32) {
    %c0_i32 = arith.constant 0 : i32
    %c0_i32_0 = arith.constant 0 : i32
    %c0_i32_1 = arith.constant 0 : i32
    return %c0_i32, %c0_i32_0 : i32, i32
  }
  func.func @transform_11(%arg0: i32) -> (i32, i32) {
    %c0_i32 = arith.constant 0 : i32
    %c0_i32_0 = arith.constant 0 : i32
    %c0_i32_1 = arith.constant 0 : i32
    return %c0_i32, %c0_i32_0 : i32, i32
  }
  func.func @transform_12(%arg0: i32) -> (i32, i32) {
    %c0_i32 = arith.constant 0 : i32
    %c0_i32_0 = arith.constant 0 : i32
    %c0_i32_1 = arith.constant 0 : i32
    return %c0_i32, %c0_i32_0 : i32, i32
  }
  func.func @transform_13(%arg0: i32) -> (i32, i32) {
    %c0_i32 = arith.constant 0 : i32
    %c0_i32_0 = arith.constant 0 : i32
    %c0_i32_1 = arith.constant 0 : i32
    return %c0_i32, %c0_i32_0 : i32, i32
  }
  func.func @transform_14(%arg0: i32) -> (i32, i32) {
    %c0_i32 = arith.constant 0 : i32
    %c0_i32_0 = arith.constant 0 : i32
    %c0_i32_1 = arith.constant 0 : i32
    return %c0_i32, %c0_i32_0 : i32, i32
  }
  func.func @transform_15(%arg0: i32) -> (i32, i32) {
    %c0_i32 = arith.constant 0 : i32
    %c0_i32_0 = arith.constant 0 : i32
    %c0_i32_1 = arith.constant 0 : i32
    return %c0_i32, %c0_i32_0 : i32, i32
  }
  func.func @transform_16(%arg0: i32) -> (i32, i32) {
    %c0_i32 = arith.constant 0 : i32
    %c0_i32_0 = arith.constant 0 : i32
    %c0_i32_1 = arith.constant 0 : i32
    return %c0_i32, %c0_i32_0 : i32, i32
  }
  func.func @transform_17(%arg0: i32) -> (i32, i32) {
    %c0_i32 = arith.constant 0 : i32
    %c0_i32_0 = arith.constant 0 : i32
    %c0_i32_1 = arith.constant 0 : i32
    return %c0_i32, %c0_i32_0 : i32, i32
  }
  func.func @transform_18(%arg0: i32) -> (i32, i32) {
    %c0_i32 = arith.constant 0 : i32
    %c0_i32_0 = arith.constant 0 : i32
    %c0_i32_1 = arith.constant 0 : i32
    return %c0_i32, %c0_i32_0 : i32, i32
  }
  func.func @transform_19(%arg0: i32) -> (i32, i32) {
    %c0_i32 = arith.constant 0 : i32
    %c0_i32_0 = arith.constant 0 : i32
    %c0_i32_1 = arith.constant 0 : i32
    return %c0_i32, %c0_i32_0 : i32, i32
  }
  func.func @transform_20(%arg0: i32) -> (i32, i32) {
    %c0_i32 = arith.constant 0 : i32
    %c0_i32_0 = arith.constant 0 : i32
    %c0_i32_1 = arith.constant 0 : i32
    return %c0_i32, %c0_i32_0 : i32, i32
  }
  func.func @transform_21(%arg0: i32) -> (i32, i32) {
    %c0_i32 = arith.constant 0 : i32
    %c0_i32_0 = arith.constant 0 : i32
    %c0_i32_1 = arith.constant 0 : i32
    return %c0_i32, %c0_i32_0 : i32, i32
  }
  func.func @transform_22(%arg0: i32) -> (i32, i32) {
    %c0_i32 = arith.constant 0 : i32
    %c0_i32_0 = arith.constant 0 : i32
    %c0_i32_1 = arith.constant 0 : i32
    return %c0_i32, %c0_i32_0 : i32, i32
  }
  func.func @transform_23(%arg0: i32) -> (i32, i32) {
    %c0_i32 = arith.constant 0 : i32
    %c0_i32_0 = arith.constant 0 : i32
    %c0_i32_1 = arith.constant 0 : i32
    return %c0_i32, %c0_i32_0 : i32, i32
  }
  func.func @transform_24(%arg0: i32) -> (i32, i32) {
    %c0_i32 = arith.constant 0 : i32
    %c0_i32_0 = arith.constant 0 : i32
    %c0_i32_1 = arith.constant 0 : i32
    return %c0_i32, %c0_i32_0 : i32, i32
  }
  func.func @transform_25(%arg0: i32) -> (i32, i32) {
    %c0_i32 = arith.constant 0 : i32
    %c0_i32_0 = arith.constant 0 : i32
    %c0_i32_1 = arith.constant 0 : i32
    return %c0_i32, %c0_i32_0 : i32, i32
  }
  func.func @transform_26(%arg0: i32) -> (i32, i32) {
    %c0_i32 = arith.constant 0 : i32
    %c0_i32_0 = arith.constant 0 : i32
    %c0_i32_1 = arith.constant 0 : i32
    return %c0_i32, %c0_i32_0 : i32, i32
  }
  func.func @transform_27(%arg0: i32) -> (i32, i32) {
    %c0_i32 = arith.constant 0 : i32
    %c0_i32_0 = arith.constant 0 : i32
    %c0_i32_1 = arith.constant 0 : i32
    return %c0_i32, %c0_i32_0 : i32, i32
  }
  func.func @transform_28(%arg0: i32) -> (i32, i32) {
    %c0_i32 = arith.constant 0 : i32
    %c0_i32_0 = arith.constant 0 : i32
    return %c0_i32, %arg0 : i32, i32
  }
}

module attributes {stable_mosaic.version = 14 : i64} {
  func.func @_gcn_body(%arg0: i32, %arg1: memref<2x768x128xf32, #tpu.memory_space<vmem>>, %arg2: memref<128x128xf32, #tpu.memory_space<vmem>>, %arg3: memref<1x128xf32, #tpu.memory_space<vmem>>, %arg4: memref<768x128xf32, #tpu.memory_space<vmem>>) attributes {dimension_semantics = [#tpu.dimension_semantics<arbitrary>], iteration_bounds = array<i64: 8>, scalar_prefetch = 0 : i64, scratch_operands = 0 : i64, tpu.core_type = #tpu.core_type<tc>, window_params = [{transform_indices = @transform_0, window_bounds = array<i64: 2, 768, 128>}, {pipeline_mode = #tpu.pipeline_mode<synchronous>, transform_indices = @transform_1, window_bounds = array<i64: 128, 128>}, {pipeline_mode = #tpu.pipeline_mode<synchronous>, transform_indices = @transform_2, window_bounds = array<i64: 1, 128>}, {transform_indices = @transform_3, window_bounds = array<i64: 768, 128>}]} {
    %get3A = arith.constant 0 : index
    %get3A_0 = arith.constant 0 : index
    %get3A_1 = arith.constant 0 : index
    %get3A_2 = vector.load %arg1[%get3A, %get3A_0, %get3A_1] : memref<2x768x128xf32, #tpu.memory_space<vmem>>, vector<1x768x128xf32>
    %get3A_3 = vector.shape_cast %get3A_2 : vector<1x768x128xf32> to vector<768x128xf32>
    %get3A_4 = arith.constant 1 : index
    %get3A_5 = arith.constant 0 : index
    %get3A_6 = arith.constant 0 : index
    %get3A_7 = vector.load %arg1[%get3A_4, %get3A_5, %get3A_6] : memref<2x768x128xf32, #tpu.memory_space<vmem>>, vector<1x768x128xf32>
    %get3A_8 = vector.shape_cast %get3A_7 : vector<1x768x128xf32> to vector<768x128xf32>
    %add3A = arith.addf %get3A_3, %get3A_8 : vector<768x128xf32>
    %get3A_9 = arith.constant 0 : index
    %get3A_10 = arith.constant 0 : index
    %get3A_11 = vector.load %arg2[%get3A_9, %get3A_10] : memref<128x128xf32, #tpu.memory_space<vmem>>, vector<128x128xf32>
    %dot_general3A = arith.constant dense<0.000000e+00> : vector<768x128xf32>
    %dot_general3A_12 = tpu.matmul %add3A, %get3A_11, %dot_general3A {dimension_numbers = #tpu.dot_dimension_numbers<[1], [0], [0], [1], [0, 0, 1, 1], [], []>, transpose_lhs_hint = false} : vector<768x128xf32>, vector<128x128xf32>, vector<768x128xf32> -> vector<768x128xf32>
    %get3A_13 = arith.constant 0 : index
    %get3A_14 = arith.constant 0 : index
    %get3A_15 = vector.load %arg3[%get3A_13, %get3A_14] : memref<1x128xf32, #tpu.memory_space<vmem>>, vector<1x128xf32>
    %add3A_16 = vector.broadcast %get3A_15 : vector<1x128xf32> to vector<768x128xf32>
    %add3A_17 = arith.addf %dot_general3A_12, %add3A_16 : vector<768x128xf32>
    %ge3A = arith.constant 0.000000e+00 : f32
    %ge3A_18 = vector.broadcast %ge3A : f32 to vector<768x128xf32>
    %ge3A_19 = arith.cmpf oge, %add3A_17, %ge3A_18 : vector<768x128xf32>
    %mul3A = arith.constant 0.00999999977 : f32
    %mul3A_20 = vector.broadcast %mul3A : f32 to vector<768x128xf32>
    %mul3A_21 = arith.mulf %mul3A_20, %add3A_17 : vector<768x128xf32>
    %select_n3A = arith.select %ge3A_19, %add3A_17, %mul3A_21 : vector<768x128xi1>, vector<768x128xf32>
    %swap3A = arith.constant 0 : index
    %swap3A_22 = arith.constant 0 : index
    %swap3A_23 = vector.load %arg4[%swap3A, %swap3A_22] : memref<768x128xf32, #tpu.memory_space<vmem>>, vector<768x128xf32>
    tpu.vector_store %arg4[%swap3A, %swap3A_22], %select_n3A {strides = array<i32>} : memref<768x128xf32, #tpu.memory_space<vmem>>, vector<768x128xf32>,
    return
  }
  func.func @transform_0(%arg0: i32) -> (i32, i32, i32) {
    %c0_i32 = arith.constant 0 : i32
    %c0_i32_0 = arith.constant 0 : i32
    %c0_i32_1 = arith.constant 0 : i32
    return %c0_i32, %arg0, %c0_i32_0 : i32, i32, i32
  }
  func.func @transform_1(%arg0: i32) -> (i32, i32) {
    %c0_i32 = arith.constant 0 : i32
    %c0_i32_0 = arith.constant 0 : i32
    %c0_i32_1 = arith.constant 0 : i32
    return %c0_i32, %c0_i32_0 : i32, i32
  }
  func.func @transform_2(%arg0: i32) -> (i32, i32) {
    %c0_i32 = arith.constant 0 : i32
    %c0_i32_0 = arith.constant 0 : i32
    %c0_i32_1 = arith.constant 0 : i32
    return %c0_i32, %c0_i32_0 : i32, i32
  }
  func.func @transform_3(%arg0: i32) -> (i32, i32) {
    %c0_i32 = arith.constant 0 : i32
    %c0_i32_0 = arith.constant 0 : i32
    return %arg0, %c0_i32 : i32, i32
  }
}

</mosaic_0001>

<sc_bundles>
// kernel: kernel.6.cloned.1.call-start
scs
__scs_entry_jumppad:
0x0: {  	(pc) =	sbr.rel $0x88, $3  }
0x1: {  	(tag) =	ssettag $0x0;
	lr =	simm.s32 $0x1  }
0x2: {  	[smem:$0x3F84] =	sst lr;
	_ =	strace $0xD0000000  }
0x3: {  	_ = 	snop  }
0x4: {  	_ = 	snop  }
0x5: {  	_ = 	snop  }
0x6: {  	_ = 	snop  }
0x7: {  	_ = 	snop  }
__scs_overlays_trampoline_lowered:
0x8: {  	[smem:$0x3F93] =	sst s0  }
0x9: {  	[smem:$0x3F94] =	sst s1  }
0xa: {  	[smem:$0x3F95] =	sst s2  }
0xb: {  	[smem:$0x3F96] =	sst s3  }
0xc: {  	[smem:$0x3F97] =	sst s4  }
0xd: {  	[smem:$0x3F98] =	sst s5  }
0xe: {  	[smem:$0x3F99] =	sst s6  }
0xf: {  	[smem:$0x3F9A] =	sst s7  }
0x10: {  	[smem:$0x3F9B] =	sst s8  }
0x11: {  	[smem:$0x3F9C] =	sst s9;
	s0 =	simm.s32 @!p0 $0x0  }
0x12: {  	s1 =	sld [smem:$0x3F82];
	s0 =	simm.s32 @p0 $0x1  }
0x13: {  	[smem:$0x3F9D] =	sst s0;
	s0 =	simm.s32 @!p1 $0x0  }
0x14: {  	s2 =	sld [smem:$0x3F81];
	s0 =	simm.s32 @p1 $0x1  }
0x15: {  	[smem:$0x3F9E] =	sst s0;
	s0 =	simm.s32 @!p2 $0x0  }
0x16: {  	s3 =	sld [smem:$0x3FDB];
	s0 =	simm.s32 @p2 $0x1  }
0x17: {  	s4 =	simm.s32 $0x1BF5;
	[smem:$0x3FA0] =	sst s0  }
0x18: {  	s0 =	sld [smem:$0x3F83];
	_ =	swait.ge [sflag:s4], $0x0  }
0x19: {  	s7 =	sld [smem:$0x3F84]  }
0x1a: {  	s8 =	sadd.s32 $0xFFFFE003, lr  }
0x1b: {  	s9 =	sadd.s32 $0xFFFFFEF7, lr;
	s5 =	simm.s32 $0xFFFFFFFF;
	p2 =	slt.u32 s8, $0xFFFFF086  }
0x1c: {  	p1 =	slt.u32 s9, $0xF7A;
	s5 =	simm.s32 @!p2 $0x0  }
0x1d: {  	s5 =	simm.s32 @p1 $0x1;
	p0 =	seq.s32 s7, s2  }
0x1e: {  	s7 =	smul.u32 @!p0 $0xF7A, s2;
	p2 =	seq.s32 @!p0 s5, $0x0  }
0x1f: {  	s9 =	smul.u32 $0xF7A, s1;
	s8 =	simm.s32 @!p0 $0x1BF5;
	p2 =	por !p2, p0  }
0x20: {  	[sflag:s8] =	ssyncset.s32 @!p0 $0xFFFFF086;
	s6 =	sadd.s32 @!p0 s3, s7;
	s7 =	simm.s32 @!p0 $0x108  }
0x21: {  	s3 =	sadd.s32 s3, s9;
	s6 =	sadd.s32 @!p0 $0x88, s6;
	s7 =	simm.s32 @p2 $0x1082  }
0x22: {  	[simem:s7], [sflag:s8] =	dma.local @!p0 [hbm:s6], $0xF7A  }
0x23: {  	s9 =	sor.u32 $0xD0000000, s2;
	s6 =	simm.s32 $0x108;
	_ =	swait.ge @!p0 [sflag:s8], $0x0  }
0x24: {  	s3 =	sadd.s32 $0x88, s3;
	s6 =	simm.s32 @!p1 $0x1082;
	[sflag:s4] =	ssyncset.s32 $0xFFFFF086  }
0x25: {  	[simem:s6], [sflag:s4] =	dma.local [hbm:s3], $0xF7A  }
0x26: {  	[smem:$0x3F84] =	sst s1;
	(tag) =	ssettag s2;
	_ =	strace s9  }
0x27: {  	s1 =	sld [smem:$0x3F94]  }
0x28: {  	s2 =	sld [smem:$0x3F95]  }
0x29: {  	s4 =	sld [smem:$0x3F97]  }
0x2a: {  	p0 =	seq.s32 s5, $0x0;
	s5 =	sld [smem:$0x3F98]  }
0x2b: {  	s6 =	sld [smem:$0x3F99]  }
0x2c: {  	s7 =	sld [smem:$0x3F9A]  }
0x2d: {  	s3 =	simm.s32 $0x108;
	s8 =	sld [smem:$0x3F9B]  }
0x2e: {  	s3 =	simm.s32 @!p0 $0x1082;
	s9 =	sld [smem:$0x3F9C]  }
0x2f: {  	lr =	sadd.s32 s0, s3;
	s0 =	sld [smem:$0x3F93]  }
0x30: {  	s3 =	sld [smem:$0x3F96]  }
0x31: {  	[smem:$0x3F9F] =	sst s10  }
0x32: {  	s10 =	sld [smem:$0x3F9D];
	_ =	sdelay $0x3  }
0x33: {  	p0 =	seq.s32 s10, $0x1;
	s10 =	sld [smem:$0x3F9F];
	_ =	sdelay $0x3  }
0x34: {  	[smem:$0x3F9F] =	sst s10  }
0x35: {  	s10 =	sld [smem:$0x3F9E];
	_ =	sdelay $0x3  }
0x36: {  	p1 =	seq.s32 s10, $0x1;
	s10 =	sld [smem:$0x3F9F];
	_ =	sdelay $0x3  }
0x37: {  	[smem:$0x3F9F] =	sst s10  }
0x38: {  	s10 =	sld [smem:$0x3FA0]  }
0x39: {  	_ = 	snop;
	(pc) =	sbr.ind lr, $3  }
0x3a: {  	_ = 	snop  }
0x3b: {  	_ = 	snop  }
0x3c: {  	p2 =	seq.s32 s10, $0x1;
	s10 =	sld [smem:$0x3F9F]  }
0x3d: {  	_ =	shalt  }
0x3e: {  	_ =	shalt  }
0x3f: {  	_ =	shalt  }
0x40: {  	_ =	shalt  }
0x41: {  	_ =	shalt  }
0x42: {  	_ =	shalt  }
0x43: {  	_ =	shalt  }
0x44: {  	_ =	shalt  }
0x45: {  	_ =	shalt  }
0x46: {  	_ =	shalt  }
0x47: {  	_ =	shalt  }
0x48: {  	_ =	shalt  }
0x49: {  	_ =	shalt  }
0x4a: {  	_ =	shalt  }
0x4b: {  	_ =	shalt  }
0x4c: {  	_ =	shalt  }
0x4d: {  	_ =	shalt  }
0x4e: {  	_ =	shalt  }
0x4f: {  	_ =	shalt  }
0x50: {  	_ =	shalt  }
0x51: {  	_ =	shalt  }
0x52: {  	_ =	shalt  }
0x53: {  	_ =	shalt  }
0x54: {  	_ =	shalt  }
0x55: {  	_ =	shalt  }
0x56: {  	_ =	shalt  }
0x57: {  	_ =	shalt  }
0x58: {  	_ =	shalt  }
0x59: {  	_ =	shalt  }
0x5a: {  	_ =	shalt  }
0x5b: {  	_ =	shalt  }
0x5c: {  	_ =	shalt  }
0x5d: {  	_ =	shalt  }
0x5e: {  	_ =	shalt  }
0x5f: {  	_ =	shalt  }
0x60: {  	_ =	shalt  }
0x61: {  	_ =	shalt  }
0x62: {  	_ =	shalt  }
0x63: {  	_ =	shalt  }
0x64: {  	_ =	shalt  }
0x65: {  	_ =	shalt  }
0x66: {  	_ =	shalt  }
0x67: {  	_ =	shalt  }
0x68: {  	_ =	shalt  }
0x69: {  	_ =	shalt  }
0x6a: {  	_ =	shalt  }
0x6b: {  	_ =	shalt  }
0x6c: {  	_ =	shalt  }
0x6d: {  	_ =	shalt  }
0x6e: {  	_ =	shalt  }
0x6f: {  	_ =	shalt  }
0x70: {  	_ =	shalt  }
0x71: {  	_ =	shalt  }
0x72: {  	_ =	shalt  }
0x73: {  	_ =	shalt  }
0x74: {  	_ =	shalt  }
0x75: {  	_ =	shalt  }
0x76: {  	_ =	shalt  }
0x77: {  	_ =	shalt  }
0x78: {  	_ =	shalt  }
0x79: {  	_ =	shalt  }
0x7a: {  	_ =	shalt  }
0x7b: {  	_ =	shalt  }
0x7c: {  	_ =	shalt  }
0x7d: {  	_ =	shalt  }
0x7e: {  	_ =	shalt  }
0x7f: {  	_ =	shalt  }
0x80: {  	_ =	shalt  }
0x81: {  	_ =	shalt  }
0x82: {  	_ =	shalt  }
0x83: {  	_ =	shalt  }
0x84: {  	_ =	shalt  }
0x85: {  	_ =	shalt  }
0x86: {  	_ =	shalt  }
0x87: {  	_ =	shalt  }
.Lfunc_end0:
.L_simem_size_0:
called_computation_lowered:
.L_overlay_start_0:
0x88: {  	s2 =	sld [smem:$0x3FD9]  }
0x89: {  	s3 =	sld [smem:$0x3FFE];
	_ =	sdelay $0x1  }
0x8a: {  	s1 =	srdreg.scid  }
0x8b: {  	s0 =	sand.u32 $0x1, s1  }
0x8c: {  	s17 =	sshll.u32 s0, $0xA;
	s2 =	sadd.s32 s3, s2  }
0x8d: {  	s2 =	sadd.s32 s2, s17  }
0x8e: {  	[smem:$0x3FAB] =	sst s2  }
0x8f: {  	_ = 	snop  }
0x90: {  	s2 =	sld [smem:$0x3FAE]  }
0x91: {  	s18 =	sld [smem:$0x3FD0];
	(tm) =	ssettm $0x1  }
0x92: {  	s4 =	sld [smem:$0x3FFB];
	_ =	sdelay $0x3  }
0x93: {  	_ =	strace s4  }
0x94: {  	s4 =	sld [smem:$0x3FFC];
	_ =	sdelay $0x3  }
0x95: {  	_ =	strace s4  }
0x96: {  	s4 =	sld [smem:$0x3FFD];
	_ =	sdelay $0x3  }
0x97: {  	_ =	strace s4  }
0x98: {  	_ =	strace $0x8FFFFFFF  }
0x99: {  	s19 =	sld [smem:$0x3FDB];
	_ =	sdelay $0x1  }
0x9a: {  	s5 =	simm.s32 $_scs_section_size  }
0x9b: {  	s6 =	simm.s32 $_size__tile_overlayer_lowered;
	s7 =	simm.s32 $_tile_overlayer_lowered  }
0x9c: {  	s22 =	simm.s32 $0x1BFF;
	s21 =	sshll.u32 s7, $0x1;
	s4 =	sadd.s32 s5, s19  }
0x9d: {  	s8 =	simm.s32 $0x0;
	s20 =	sshll.u32 s6, $0x1;
	s6 =	sadd.s32 s21, s4  }
0x9e: {  	[timem:s8], [sflag:s22] =	dma.local [hbm:s6], s20  }
0x9f: {  	_ =	swait.ge [sflag:s22], s20  }
0xa0: {  	s5 =	ssub.s32 $0x0, s20;
	[sflag:s22] =	ssyncset.done $0x0  }
0xa1: {  	[sflag:s22] =	ssyncadd.s32 s5;
	_ =	sdelay $0x1  }
0xa2: {  	s23 =	simm.s32 $0x1B8B  }
0xa3: {  	_ =	swait.ge [sflag:s23], $0x1  }
0xa4: {  	[sflag:s23] =	ssyncset.done $0x0  }
0xa5: {  	s25 =	simm.s32 $0x1B8E;
	s24 =	sld [smem:$0x3FFE];
	[sflag:s23] =	ssyncadd.s32 $0xFFFFFFFF  }
0xa6: {  	s26 =	simm.s32 $execute0_lowered;
	[smem:$0x3FD2] =	sst s25  }
0xa7: {  	s6 =	sshll.u32 s26, $0x1;
	_ =	strace $0x80000046;
	[dreg:$0x1] =	wrdreg $0xFFFFFFFF  }
0xa8: {  	s28 =	simm.s32 $_size_execute0_lowered;
	s4 =	sadd.s32 s4, s6;
	[dreg:$0x0] =	wrdreg $0x0  }
0xa9: {  	s6 =	sshll.u32 s28, $0x1;
	[dreg:$0x2] =	wrdreg s4  }
0xaa: {  	[dreg:$0x3] =	wrdreg s6  }
0xab: {  	[dreg:$0x4] =	wrdreg $0xC0  }
0xac: {  	_ =	task [dreg:s8], $0x5FFFF  }
0xad: {  	[dreg:$0x1] =	wrdreg $0xFFFFFFFF  }
0xae: {  	[dreg:$0x0] =	wrdreg $0x60  }
0xaf: {  	[dreg:$0x2] =	wrdreg s18  }
0xb0: {  	[dreg:$0x3] =	wrdreg s24  }
0xb1: {  	[dreg:$0x4] =	wrdreg s2  }
0xb2: {  	[dreg:$0x5] =	wrdreg $0x182000  }
0xb3: {  	[dreg:$0x6] =	wrdreg $0x18E000  }
0xb4: {  	[dreg:$0x7] =	wrdreg $0x19A000  }
0xb5: {  	[dreg:$0x8] =	wrdreg $0x9  }
0xb6: {  	_ =	task.clear_ibuf [dreg:s8], $0x9FFFF;
	_ =	strace $0x90000046  }
0xb7: {  	s29 =	simm.s32 $0x9;
	_ =	strace $0x80000048  }
0xb8: {  	_ =	swait.ge [sflag:s29], $0x1  }
0xb9: {  	[sflag:s29] =	ssyncadd.s32 $0xFFFFFFFF  }
0xba: {  	_ =	strace $0x90000048  }
0xbb: {  	_ =	sfence  }
0xbc: {  	s30 =	sld [smem:$0x0];
	_ =	sdelay $0x2  }
0xbd: {  	s31 =	sshll.u32 s1, $0xD;
	s1 =	sshrl.u32 s1, $0x2  }
0xbe: {  	s3 =	sand.u32 $0x4000, s31;
	s1 =	sadd.s32 s1, s30  }
0xbf: {  	s0 =	sor.u32 s3, s0;
	s1 =	sshll.u32 s1, $0x11  }
0xc0: {  	s0 =	sor.u32 s1, s0  }
0xc1: {  	s0 =	sadd.s32 $0x8F2B, s0  }
0xc2: {  	[sflag:s0] =	ssyncadd.remote.s32 $0x1  }
0xc3: {  	_ =	sfence.sel $0xFFFF  }
0xc4: {  	[dreg:$0x0] =	wrdreg $0xFFFFFFFF;
	(pc) =	sbr.abs _section_cstart, $3  }
0xc5: {  	[dreg:$0x1] =	wrdreg $0xFFFFFFFF  }
0xc6: {  	_ =	task.clear_ibuf [dreg:s8], $0x2FFFF;
	_ =	strace $0x9FFFFFFF  }
0xc7: {  	(tm) =	ssettm $0x7FFFFFFF  }
tec
execute0_lowered:
.L_overlay_start_1:
0x0: {  	(tag) =	ssettag $0x1  }
0x1: {  	s0 =	rddreg [dreg:$0x0]  }
0x2: {  	s1 =	rddreg [dreg:$0x1]  }
0x3: {  	s2 =	rddreg [dreg:$0x2];
	s3 =	srdreg.scid  }
0x4: {  	s4 =	stileid.u32;
	s9 =	rddreg [dreg:$0x5];
	s7 =	simm.s32 $0x0  }
0x5: {  	s3 =	sand.u32 $0x1, s3;
	s5 =	sshrl.u32 s4, $0x2;
	s25 =	smul.u32 $0x1800, s4  }
0x6: {  	[smem:$0x7FF] =	sst s7;
	s21 =	sshll.u32 s4, $0x4;
	s6 =	smul.u32 $0xC0000, s3  }
0x7: {  	p0 =	seq.s32 s4, $0x1;
	s31 =	sshrl.u32 s9, $0x3;
	s5 =	smul.u32 $0x30000, s5  }
0x8: {  	s8 =	smul.u32 $0x1800, s3;
	s22 =	sand.u32 $0x30, s21;
	s3 =	ssub.s32 $0x2, s3  }
0x9: {  	_ =	strace $0x80000047;
	[dreg:$0xd] =	wrdreg s31;
	s24 =	sshrl.u32 s3, $0x1  }
0xa: {  	s0 =	sadd.s32 s0, s25;
	s5 =	sadd.s32 s6, s5;
	s23 =	sadd.s32 s8, s1  }
0xb: {  	v0 =	vimm.f32 $0.0e+00;
	v1 =	vimm.s32 $0x0;
	s3 =	ssub.s32 s3, s24;
	s2 =	sadd.s32 s2, s8;
	[dreg:$0xa] =	wrdreg s0  }
0xc: {  	v2 =	vimm.s32 $0x1;
	v3 =	vimm.s32 $0x2;
	v4 =	vimm.s32 $0x3;
	s5 =	sor.u32 s22, s5;
	[dreg:$0x7] =	wrdreg s2;
	s26 =	sadd.s32 $0x7000, s23  }
0xd: {  	v5 =	vimm.s32 $0x4;
	v6 =	vimm.s32 $0x5;
	v7 =	vimm.s32 $0x6;
	s28 =	sadd.s32 $0x4000, s23;
	s5 =	sshrl.u32 s5, $0x3;
	[dreg:$0x8] =	wrdreg s26  }
0xe: {  	v8 =	vimm.s32 $0x7;
	v9 =	vimm.s32 $0x8;
	v10 =	vimm.s32 $0x9;
	s30 =	smax.u32 s3, $0x1;
	[dreg:$0x9] =	wrdreg s28;
	s1 =	sadd.s32 s5, s1  }
0xf: {  	v11 =	vimm.s32 $0xA;
	v12 =	vimm.s32 $0xB;
	v13 =	vimm.s32 $0xC;
	p1 =	sne.s32 s4, $0x0;
	[dreg:$0xc] =	wrdreg s30;
	s29 =	sadd.s32 $0xA000, s1  }
0x10: {  	v14 =	vimm.s32 $0xD;
	v15 =	vimm.s32 $0xE;
	v16 =	vimm.s32 $0xF;
	s3 =	simm.s32 $0x1;
	s1 =	simm.s32 $0x0;
	[dreg:$0xb] =	wrdreg s29  }
.LBB2_1:
.Ltmp0:
0x11: {  	(pc) =	sbr.rel @p0 .LBB2_4-.Ltmp0, $2  }
0x12: {  	_ =	sdelay $0x2  }
0x13: {  	[dreg:$0xe] =	wrdreg s1  }
.Ltmp1:
0x14: {  	(pc) =	sbr.rel @p1 .LBB2_6-.Ltmp1, $1  }
0x15: {  	_ =	sdelay $0x3  }
0x16: {  	s0 =	rddreg [dreg:$0x3]  }
0x17: {  	s1 =	rddreg [dreg:$0x8];
	s2 =	simm.s32 $0x1C01;
	s0 =	sshrl.u32 s0, $0x3  }
0x18: {  	[spmem:s0], [sflag:s2] =	dma.local [hbm:s1], $0x1800  }
0x19: {  	_ =	swait.ge [sflag:s3], $0x1800  }
.Ltmp2:
0x1a: {  	[sflag:s3] =	ssyncset.done $0x0;
	(pc) =	sbr.rel .LBB2_5-.Ltmp2, $4  }
0x1b: {  	[sflag:s3] =	ssyncadd.s32 $0xFFFFE800  }
0x1c: {  	s30 =	rddreg [dreg:$0x4]  }
0x1d: {  	s31 =	rddreg [dreg:$0x9];
	s0 =	sshrl.u32 s30, $0x3  }
0x1e: {  	[spmem:s0], [sflag:s2] =	dma.local [hbm:s31], $0x1800  }
.LBB2_4:
0x1f: {  	s0 =	rddreg [dreg:$0x7]  }
0x20: {  	s1 =	rddreg [dreg:$0xd];
	s2 =	simm.s32 $0x1C41  }
0x21: {  	[spmem:s1], [sflag:s2] =	dma.local [hbm:s0], $0x1800  }
.LBB2_5:
0x22: {  	_ =	swait.ge [sflag:s3], $0x1800  }
0x23: {  	[sflag:s3] =	ssyncset.done $0x0  }
0x24: {  	[sflag:s3] =	ssyncadd.s32 $0xFFFFE800  }
.LBB2_6:
0x25: {  	s2 =	simm.s32 $0x0;
	s0 =	rddreg [dreg:$0xa]  }
0x26: {  	[tilespmem:s2], [sflag:$0x1] =	stream.linear.gather [hbm4b:s0+s2], $0xC000, $0x38;
	[tilespmem:$0x1A600] =	vst v63  }
0x27: {  	_ =	swait.ge [sflag:s3], $0xC000  }
0x28: {  	[sflag:s3] =	ssyncset.done $0x0  }
0x29: {  	[sflag:s3] =	ssyncadd.s32 $0xFFFF4000  }
0x2a: {  	s1 =	simm.s32 $0x0;
	s0 =	simm.s32 $0x40;
	[bflag:$0x0] =	sbarrier.arrive $0xFFFF  }
.LBB2_7:
0x2b: {  	p2 =	sne.s32 s0, $0x2FFC0;
	[tilespmem:s1+$0xC200] =	vst v0;
	s1 =	smov.u32 s0;
	s0 =	sadd.s32 $0x40, s0  }
.Ltmp3:
0x2c: {  	(pc) =	sbr.rel @p2 .LBB2_7-.Ltmp3, $2  }
0x2d: {  	_ =	sdelay $0x2  }
0x2e: {  	s1 =	sshra.s32 s1, $0x2  }
0x2f: {  	[tilespmem:s1+$0xC200] =	vst v0  }
.LBB2_9:
0x30: {  	s0 =	sshll.u32 s2, $0x9;
	s1 =	rddreg [dreg:$0x3]  }
0x31: {  	[dreg:$0xf] =	wrdreg s2;
	s4 =	simm.s32 $0x0;
	s1 =	sadd.s32 s0, s1  }
0x32: {  	[smem:s4], [sflag:$0x1] =	stream.linear.gather [spmem:s1], $0x200, $0x38;
	[tilespmem:$0x1A600] =	vst v63  }
0x33: {  	_ =	swait.ge [sflag:s3], $0x200  }
0x34: {  	[sflag:s3] =	ssyncset.done $0x0  }
0x35: {  	[sflag:s3] =	ssyncadd.s32 $0xFFFFFE00  }
0x36: {  	s5 =	rddreg [dreg:$0x4]  }
0x37: {  	s6 =	simm.s32 $0x200;
	s1 =	sadd.s32 s0, s5  }
0x38: {  	[smem:s6], [sflag:$0x1] =	stream.linear.gather [spmem:s1], $0x200, $0x38;
	[tilespmem:$0x1A600] =	vst v63  }
0x39: {  	_ =	swait.ge [sflag:s3], $0x200  }
0x3a: {  	[sflag:s3] =	ssyncset.done $0x0  }
0x3b: {  	[sflag:s3] =	ssyncadd.s32 $0xFFFFFE00  }
0x3c: {  	s7 =	rddreg [dreg:$0x5]  }
0x3d: {  	s8 =	simm.s32 $0xC000;
	s0 =	sadd.s32 s0, s7  }
0x3e: {  	[tilespmem:s8], [sflag:$0x1] =	stream.linear.gather [spmem:s0], $0x200, $0x38;
	[tilespmem:$0x1A600] =	vst v63  }
0x3f: {  	_ =	swait.ge [sflag:s3], $0x200  }
0x40: {  	[sflag:s3] =	ssyncset.done $0x0  }
0x41: {  	[sflag:s3] =	ssyncadd.s32 $0xFFFFFE00  }
0x42: {  	s9 =	sld [smem:$0x10];
	_ =	sdelay $0x1  }
0x43: {  	s11 =	simm.s32 $0xC010;
	s10 =	sld [smem:$0x0]  }
0x44: {  	s12 =	sld [smem:$0x1];
	v19 =	vld [tilespmem:s11+$0x0];
	s0 =	sshll.u32 s9, $0x6  }
0x45: {  	v18 =	vld [tilespmem:s11+$0xFFFFFFF0];
	s0 =	sshra.s32 s0, $0x2  }
0x46: {  	s2 =	sld [smem:$0x2];
	s1 =	sshll.u32 s10, $0x6;
	v17 =	vld [tilespmem:s0+$0x0]  }
0x47: {  	s1 =	sshra.s32 s1, $0x2  }
0x48: {  	v20 =	vld [tilespmem:s1+$0x0];
	s0 =	sld [smem:$0x210]  }
0x49: {  	v21 =	vperm.xlane v19, v1;
	s13 =	sld [smem:$0x11]  }
0x4a: {  	s4 =	sld [smem:$0x200]  }
0x4b: {  	s0 =	sshll.u32 s0, $0x6;
	v17 =	vmul.f32 v21, v17;
	v21 =	vperm.xlane v18, v1  }
0x4c: {  	s0 =	sshra.s32 s0, $0x2;
	s1 =	sshll.u32 s13, $0x6  }
0x4d: {  	s5 =	sld [smem:$0x201];
	s14 =	sshll.u32 s4, $0x6;
	s1 =	sshra.s32 s1, $0x2;
	[tilespmem:s0+$0xC200] =	vst.add.f32.msk $0xffff, v17;
	v17 =	vmul.f32 v21, v20  }
0x4e: {  	s0 =	sshra.s32 s14, $0x2;
	s15 =	sld [smem:$0x202];
	v20 =	vld [tilespmem:s1+$0x0]  }
0x4f: {  	s16 =	sshll.u32 s12, $0x6;
	[tilespmem:s0+$0xC200] =	vst.add.f32.msk $0xffff, v17  }
0x50: {  	s17 =	sshra.s32 s16, $0x2;
	s18 =	sld [smem:$0x3]  }
0x51: {  	v17 =	vld [tilespmem:s17+$0x0];
	s0 =	sld [smem:$0x211]  }
0x52: {  	v21 =	vperm.xlane v19, v2;
	s19 =	sld [smem:$0x12];
	_ =	sdelay $0x1  }
0x53: {  	v20 =	vmul.f32 v21, v20;
	v21 =	vperm.xlane v18, v2;
	s0 =	sshll.u32 s0, $0x6  }
0x54: {  	s9 =	sld [smem:$0x203];
	s0 =	sshra.s32 s0, $0x2;
	s3 =	sshll.u32 s19, $0x6  }
0x55: {  	s20 =	sshll.u32 s5, $0x6;
	s10 =	sld [smem:$0x4];
	v17 =	vmul.f32 v21, v17;
	[tilespmem:s0+$0xC200] =	vst.add.f32.msk $0xffff, v20;
	s3 =	sshra.s32 s3, $0x2  }
0x56: {  	s0 =	sshra.s32 s20, $0x2;
	s6 =	sld [smem:$0x204];
	v20 =	vld [tilespmem:s3+$0x0]  }
0x57: {  	s2 =	sshll.u32 s2, $0x6;
	[tilespmem:s0+$0xC200] =	vst.add.f32.msk $0xffff, v17  }
0x58: {  	s21 =	sshra.s32 s2, $0x2;
	s8 =	sld [smem:$0x5]  }
0x59: {  	v17 =	vld [tilespmem:s21+$0x0];
	s0 =	sld [smem:$0x212]  }
0x5a: {  	v21 =	vperm.xlane v19, v3;
	s22 =	sld [smem:$0x13];
	_ =	sdelay $0x1  }
0x5b: {  	v20 =	vmul.f32 v21, v20;
	s0 =	sshll.u32 s0, $0x6;
	v21 =	vperm.xlane v18, v3  }
0x5c: {  	s23 =	sld [smem:$0x205];
	s0 =	sshra.s32 s0, $0x2;
	s3 =	sshll.u32 s22, $0x6  }
0x5d: {  	s24 =	sshll.u32 s15, $0x6;
	s2 =	sld [smem:$0x6];
	[tilespmem:s0+$0xC200] =	vst.add.f32.msk $0xffff, v20;
	v17 =	vmul.f32 v21, v17;
	s25 =	sshra.s32 s3, $0x2  }
0x5e: {  	s0 =	sshra.s32 s24, $0x2;
	s26 =	sld [smem:$0x206];
	v20 =	vld [tilespmem:s25+$0x0]  }
0x5f: {  	s1 =	sshll.u32 s18, $0x6;
	[tilespmem:s0+$0xC200] =	vst.add.f32.msk $0xffff, v17  }
0x60: {  	s14 =	sshra.s32 s1, $0x2;
	s7 =	sld [smem:$0x7]  }
0x61: {  	v17 =	vld [tilespmem:s14+$0x0];
	s0 =	sld [smem:$0x213]  }
0x62: {  	v21 =	vperm.xlane v19, v4;
	s15 =	sld [smem:$0x14];
	_ =	sdelay $0x1  }
0x63: {  	v20 =	vmul.f32 v21, v20;
	v21 =	vperm.xlane v18, v4;
	s0 =	sshll.u32 s0, $0x6  }
0x64: {  	s13 =	sld [smem:$0x207];
	s0 =	sshra.s32 s0, $0x2;
	s4 =	sshll.u32 s15, $0x6  }
0x65: {  	s9 =	sshll.u32 s9, $0x6;
	s1 =	sld [smem:$0x8];
	v17 =	vmul.f32 v21, v17;
	[tilespmem:s0+$0xC200] =	vst.add.f32.msk $0xffff, v20;
	s4 =	sshra.s32 s4, $0x2  }
0x66: {  	s9 =	sshra.s32 s9, $0x2;
	s0 =	sld [smem:$0x208];
	v20 =	vld [tilespmem:s4+$0x0]  }
0x67: {  	s16 =	sshll.u32 s10, $0x6;
	[tilespmem:s9+$0xC200] =	vst.add.f32.msk $0xffff, v17  }
0x68: {  	s4 =	sshra.s32 s16, $0x2;
	s18 =	sld [smem:$0x9]  }
0x69: {  	v17 =	vld [tilespmem:s4+$0x0];
	s17 =	sld [smem:$0x214]  }
0x6a: {  	v21 =	vperm.xlane v19, v5;
	s19 =	sld [smem:$0x15];
	_ =	sdelay $0x1  }
0x6b: {  	v20 =	vmul.f32 v21, v20;
	s9 =	sshll.u32 s17, $0x6;
	v21 =	vperm.xlane v18, v5  }
0x6c: {  	s4 =	sld [smem:$0x209];
	s9 =	sshra.s32 s9, $0x2;
	s10 =	sshll.u32 s19, $0x6  }
0x6d: {  	s6 =	sshll.u32 s6, $0x6;
	s17 =	sld [smem:$0xA];
	[tilespmem:s9+$0xC200] =	vst.add.f32.msk $0xffff, v20;
	v17 =	vmul.f32 v21, v17;
	s20 =	sshra.s32 s10, $0x2  }
0x6e: {  	s6 =	sshra.s32 s6, $0x2;
	s12 =	sld [smem:$0x20A];
	v20 =	vld [tilespmem:s20+$0x0]  }
0x6f: {  	s8 =	sshll.u32 s8, $0x6;
	[tilespmem:s6+$0xC200] =	vst.add.f32.msk $0xffff, v17  }
0x70: {  	s21 =	sshra.s32 s8, $0x2;
	s16 =	sld [smem:$0xB]  }
0x71: {  	v17 =	vld [tilespmem:s21+$0x0];
	s6 =	sld [smem:$0x215]  }
0x72: {  	v21 =	vperm.xlane v19, v6;
	s22 =	sld [smem:$0x16];
	_ =	sdelay $0x1  }
0x73: {  	v20 =	vmul.f32 v21, v20;
	v21 =	vperm.xlane v18, v6;
	s6 =	sshll.u32 s6, $0x6  }
0x74: {  	s10 =	sld [smem:$0x20B];
	s6 =	sshra.s32 s6, $0x2;
	s8 =	sshll.u32 s22, $0x6  }
0x75: {  	s5 =	sshll.u32 s23, $0x6;
	s11 =	sld [smem:$0xC];
	v17 =	vmul.f32 v21, v17;
	[tilespmem:s6+$0xC200] =	vst.add.f32.msk $0xffff, v20;
	s23 =	sshra.s32 s8, $0x2  }
0x76: {  	s5 =	sshra.s32 s5, $0x2;
	s8 =	sld [smem:$0x20C];
	v20 =	vld [tilespmem:s23+$0x0]  }
0x77: {  	s2 =	sshll.u32 s2, $0x6;
	[tilespmem:s5+$0xC200] =	vst.add.f32.msk $0xffff, v17  }
0x78: {  	s2 =	sshra.s32 s2, $0x2;
	s9 =	sld [smem:$0xD]  }
0x79: {  	v17 =	vld [tilespmem:s2+$0x0];
	s2 =	sld [smem:$0x216]  }
0x7a: {  	v21 =	vperm.xlane v19, v7;
	s14 =	sld [smem:$0x17];
	_ =	sdelay $0x1  }
0x7b: {  	s6 =	sld [smem:$0x20D];
	v20 =	vmul.f32 v21, v20;
	s2 =	sshll.u32 s2, $0x6;
	v21 =	vperm.xlane v18, v7  }
0x7c: {  	s5 =	sld [smem:$0xE];
	s15 =	sshra.s32 s2, $0x2;
	s14 =	sshll.u32 s14, $0x6  }
0x7d: {  	s24 =	sshll.u32 s26, $0x6;
	s2 =	sld [smem:$0x20E];
	[tilespmem:s15+$0xC200] =	vst.add.f32.msk $0xffff, v20;
	v17 =	vmul.f32 v21, v17;
	s14 =	sshra.s32 s14, $0x2  }
0x7e: {  	s15 =	sshra.s32 s24, $0x2;
	s3 =	sld [smem:$0xF];
	v20 =	vld [tilespmem:s14+$0x0]  }
0x7f: {  	s7 =	sshll.u32 s7, $0x6;
	[tilespmem:s15+$0xC200] =	vst.add.f32.msk $0xffff, v17  }
0x80: {  	s25 =	sshra.s32 s7, $0x2;
	s7 =	sld [smem:$0x20F]  }
0x81: {  	v17 =	vld [tilespmem:s25+$0x0];
	s14 =	sld [smem:$0x217]  }
0x82: {  	v21 =	vperm.xlane v19, v8;
	s26 =	sld [smem:$0x18];
	_ =	sdelay $0x1  }
0x83: {  	v20 =	vmul.f32 v21, v20;
	v21 =	vperm.xlane v18, v8;
	s14 =	sshll.u32 s14, $0x6  }
0x84: {  	s14 =	sshra.s32 s14, $0x2;
	s15 =	sshll.u32 s26, $0x6  }
0x85: {  	s13 =	sshll.u32 s13, $0x6;
	s19 =	sld [smem:$0x30];
	v17 =	vmul.f32 v21, v17;
	[tilespmem:s14+$0xC200] =	vst.add.f32.msk $0xffff, v20;
	s15 =	sshra.s32 s15, $0x2  }
0x86: {  	s13 =	sshra.s32 s13, $0x2;
	s20 =	sld [smem:$0x20];
	v20 =	vld [tilespmem:s15+$0x0]  }
0x87: {  	s22 =	simm.s32 $0xC030;
	s23 =	sld [smem:$0x21];
	[tilespmem:s13+$0xC200] =	vst.add.f32.msk $0xffff, v17  }
0x88: {  	s21 =	sshll.u32 s19, $0x6;
	v17 =	vld [tilespmem:s22+$0x0];
	s13 =	sld [smem:$0x218]  }
0x89: {  	v22 =	vperm.xlane v19, v9;
	v26 =	vld [tilespmem:s22+$0xFFFFFFF0];
	s24 =	sld [smem:$0x19];
	s15 =	sshll.u32 s20, $0x6;
	s20 =	sshra.s32 s21, $0x2  }
0x8a: {  	s1 =	sshll.u32 s1, $0x6;
	s14 =	sld [smem:$0x22];
	s15 =	sshra.s32 s15, $0x2;
	v21 =	vld [tilespmem:s20+$0x0]  }
0x8b: {  	s1 =	sshra.s32 s1, $0x2;
	v23 =	vld [tilespmem:s15+$0x0];
	v20 =	vmul.f32 v22, v20;
	s13 =	sshll.u32 s13, $0x6  }
0x8c: {  	s15 =	sld [smem:$0x230];
	v22 =	vld [tilespmem:s1+$0x0];
	s25 =	sshra.s32 s13, $0x2  }
0x8d: {  	s26 =	sld [smem:$0x31];
	[tilespmem:s25+$0xC200] =	vst.add.f32.msk $0xffff, v20;
	v20 =	vperm.xlane v17, v1  }
0x8e: {  	s19 =	sshll.u32 s24, $0x6;
	s21 =	sld [smem:$0x220]  }
0x8f: {  	s20 =	sshra.s32 s19, $0x2;
	s15 =	sshll.u32 s15, $0x6;
	v20 =	vmul.f32 v20, v21;
	v21 =	vperm.xlane v26, v1  }
0x90: {  	v24 =	vld [tilespmem:s20+$0x0];
	s1 =	sld [smem:$0x221];
	s15 =	sshra.s32 s15, $0x2  }
0x91: {  	s24 =	sld [smem:$0x219];
	[tilespmem:s15+$0xC200] =	vst.add.f32.msk $0xffff, v20;
	v20 =	vmul.f32 v21, v23;
	s19 =	sshll.u32 s21, $0x6  }
0x92: {  	s13 =	sshll.u32 s26, $0x6;
	s15 =	sld [smem:$0x1A];
	s19 =	sshra.s32 s19, $0x2  }
0x93: {  	s13 =	sshra.s32 s13, $0x2;
	s20 =	sld [smem:$0x222];
	[tilespmem:s19+$0xC200] =	vst.add.f32.msk $0xffff, v20;
	v20 =	vperm.xlane v19, v10  }
0x94: {  	s23 =	sshll.u32 s23, $0x6;
	v21 =	vld [tilespmem:s13+$0x0]  }
0x95: {  	s13 =	sshra.s32 s23, $0x2;
	s25 =	sshll.u32 s24, $0x6;
	s23 =	sld [smem:$0x23];
	v20 =	vmul.f32 v20, v24;
	v24 =	vperm.xlane v18, v9  }
0x96: {  	v23 =	vld [tilespmem:s13+$0x0];
	s13 =	sshra.s32 s25, $0x2;
	s26 =	sld [smem:$0x231];
	s15 =	sshll.u32 s15, $0x6  }
0x97: {  	s0 =	sshll.u32 s0, $0x6;
	s25 =	sld [smem:$0x32];
	s15 =	sshra.s32 s15, $0x2;
	[tilespmem:s13+$0xC200] =	vst.add.f32.msk $0xffff, v20;
	v20 =	vmul.f32 v24, v22;
	v24 =	vperm.xlane v17, v2  }
0x98: {  	s0 =	sshra.s32 s0, $0x2;
	s21 =	sshll.u32 s18, $0x6;
	s13 =	sld [smem:$0x223];
	v22 =	vld [tilespmem:s15+$0x0]  }
0x99: {  	s15 =	sshra.s32 s21, $0x2;
	s24 =	sshll.u32 s26, $0x6;
	s19 =	sld [smem:$0x24];
	[tilespmem:s0+$0xC200] =	vst.add.f32.msk $0xffff, v20;
	v20 =	vmul.f32 v24, v21;
	v24 =	vperm.xlane v26, v2  }
0x9a: {  	s0 =	sshra.s32 s24, $0x2;
	v21 =	vld [tilespmem:s15+$0x0]  }
0x9b: {  	s1 =	sshll.u32 s1, $0x6;
	s26 =	sld [smem:$0x21A];
	[tilespmem:s0+$0xC200] =	vst.add.f32.msk $0xffff, v20;
	v20 =	vmul.f32 v24, v23  }
0x9c: {  	s1 =	sshra.s32 s1, $0x2;
	s15 =	sshll.u32 s25, $0x6;
	s25 =	sld [smem:$0x1B]  }
0x9d: {  	s0 =	sshra.s32 s15, $0x2;
	s15 =	sld [smem:$0x224];
	[tilespmem:s1+$0xC200] =	vst.add.f32.msk $0xffff, v20;
	v20 =	vperm.xlane v19, v11  }
0x9e: {  	s18 =	sshll.u32 s14, $0x6;
	v23 =	vld [tilespmem:s0+$0x0]  }
0x9f: {  	s0 =	sshra.s32 s18, $0x2;
	s21 =	sshll.u32 s26, $0x6;
	s18 =	sld [smem:$0x25];
	v20 =	vmul.f32 v20, v22;
	v22 =	vperm.xlane v18, v10  }
0xa0: {  	v24 =	vld [tilespmem:s0+$0x0];
	s0 =	sshra.s32 s21, $0x2;
	s24 =	sld [smem:$0x232];
	s25 =	sshll.u32 s25, $0x6  }
0xa1: {  	s21 =	sshll.u32 s4, $0x6;
	s26 =	sld [smem:$0x33];
	s1 =	sshra.s32 s25, $0x2;
	[tilespmem:s0+$0xC200] =	vst.add.f32.msk $0xffff, v20;
	v20 =	vmul.f32 v22, v21;
	v22 =	vperm.xlane v17, v3  }
0xa2: {  	s17 =	sshll.u32 s17, $0x6;
	s25 =	sshra.s32 s21, $0x2;
	s14 =	sld [smem:$0x225];
	v21 =	vld [tilespmem:s1+$0x0]  }
0xa3: {  	s4 =	sshra.s32 s17, $0x2;
	s21 =	sshll.u32 s24, $0x6;
	s1 =	sld [smem:$0x26];
	[tilespmem:s25+$0xC200] =	vst.add.f32.msk $0xffff, v20;
	v20 =	vmul.f32 v22, v23;
	v23 =	vperm.xlane v26, v3  }
0xa4: {  	s30 =	simm.s32 $0x2;
	s28 =	simm.s32 $0x230;
	s0 =	sshra.s32 s21, $0x2;
	v22 =	vld [tilespmem:s4+$0x0]  }
0xa5: {  	s12 =	sshll.u32 s12, $0x6;
	s20 =	sshll.u32 s20, $0x6;
	s24 =	sld [smem:$0x21B];
	[tilespmem:s0+$0xC200] =	vst.add.f32.msk $0xffff, v20;
	v20 =	vmul.f32 v23, v24  }
0xa6: {  	s25 =	sshll.u32 s26, $0x6;
	s4 =	sshra.s32 s20, $0x2;
	s26 =	sld [smem:$0x1C]  }
0xa7: {  	s16 =	sshll.u32 s16, $0x6;
	s21 =	sshra.s32 s25, $0x2;
	s0 =	sld [smem:$0x226];
	[tilespmem:s4+$0xC200] =	vst.add.f32.msk $0xffff, v20;
	v20 =	vperm.xlane v19, v12  }
0xa8: {  	s16 =	sshra.s32 s16, $0x2;
	s10 =	sshll.u32 s10, $0x6;
	s23 =	sshll.u32 s23, $0x6;
	v23 =	vld [tilespmem:s21+$0x0]  }
0xa9: {  	s20 =	sshra.s32 s23, $0x2;
	s17 =	sshll.u32 s24, $0x6;
	s4 =	sld [smem:$0x27];
	v20 =	vmul.f32 v20, v21;
	v21 =	vperm.xlane v18, v11  }
0xaa: {  	v24 =	vld [tilespmem:s20+$0x0];
	s17 =	sshra.s32 s17, $0x2;
	s20 =	sld [smem:$0x233];
	s24 =	sshll.u32 s26, $0x6  }
0xab: {  	s11 =	sshll.u32 s11, $0x6;
	s25 =	sld [smem:$0x34];
	s24 =	sshra.s32 s24, $0x2;
	[tilespmem:s17+$0xC200] =	vst.add.f32.msk $0xffff, v20;
	v20 =	vmul.f32 v21, v22;
	v22 =	vperm.xlane v17, v4  }
0xac: {  	s11 =	sshra.s32 s11, $0x2;
	s26 =	sshra.s32 s12, $0x2;
	s17 =	sld [smem:$0x227];
	v21 =	vld [tilespmem:s24+$0x0]  }
0xad: {  	s8 =	sshll.u32 s8, $0x6;
	s20 =	sshll.u32 s20, $0x6;
	s12 =	sld [smem:$0x28];
	[tilespmem:s26+$0xC200] =	vst.add.f32.msk $0xffff, v20;
	v20 =	vmul.f32 v22, v23;
	v23 =	vperm.xlane v26, v4  }
0xae: {  	s8 =	sshra.s32 s8, $0x2;
	s9 =	sshll.u32 s9, $0x6;
	s20 =	sshra.s32 s20, $0x2;
	v22 =	vld [tilespmem:s16+$0x0]  }
0xaf: {  	s9 =	sshra.s32 s9, $0x2;
	s13 =	sshll.u32 s13, $0x6;
	s21 =	sld [smem:$0x21C];
	[tilespmem:s20+$0xC200] =	vst.add.f32.msk $0xffff, v20;
	v20 =	vmul.f32 v23, v24  }
0xb0: {  	s13 =	sshra.s32 s13, $0x2;
	s25 =	sshll.u32 s25, $0x6;
	s23 =	sld [smem:$0x1D]  }
0xb1: {  	s6 =	sshll.u32 s6, $0x6;
	s26 =	sshra.s32 s25, $0x2;
	s16 =	sld [smem:$0x228];
	[tilespmem:s13+$0xC200] =	vst.add.f32.msk $0xffff, v20;
	v20 =	vperm.xlane v19, v13  }
0xb2: {  	s5 =	sshll.u32 s5, $0x6;
	s6 =	sshra.s32 s6, $0x2;
	s19 =	sshll.u32 s19, $0x6;
	v23 =	vld [tilespmem:s26+$0x0]  }
0xb3: {  	s19 =	sshra.s32 s19, $0x2;
	s21 =	sshll.u32 s21, $0x6;
	s13 =	sld [smem:$0x29];
	v20 =	vmul.f32 v20, v21;
	v21 =	vperm.xlane v18, v12  }
0xb4: {  	v24 =	vld [tilespmem:s19+$0x0];
	s19 =	sshra.s32 s21, $0x2;
	s24 =	sld [smem:$0x234];
	s23 =	sshll.u32 s23, $0x6  }
0xb5: {  	s5 =	sshra.s32 s5, $0x2;
	s25 =	sld [smem:$0x35];
	s23 =	sshra.s32 s23, $0x2;
	[tilespmem:s19+$0xC200] =	vst.add.f32.msk $0xffff, v20;
	v20 =	vmul.f32 v21, v22;
	v22 =	vperm.xlane v17, v5  }
0xb6: {  	s3 =	sshll.u32 s3, $0x6;
	s26 =	sshra.s32 s10, $0x2;
	s19 =	sld [smem:$0x229];
	v21 =	vld [tilespmem:s23+$0x0]  }
0xb7: {  	s7 =	sshll.u32 s7, $0x6;
	s20 =	sshll.u32 s24, $0x6;
	s10 =	sld [smem:$0x2A];
	[tilespmem:s26+$0xC200] =	vst.add.f32.msk $0xffff, v20;
	v20 =	vmul.f32 v22, v23;
	v23 =	vperm.xlane v26, v5  }
0xb8: {  	s15 =	sshll.u32 s15, $0x6;
	s18 =	sshll.u32 s18, $0x6;
	s21 =	sshra.s32 s20, $0x2;
	v22 =	vld [tilespmem:s11+$0x0]  }
0xb9: {  	s15 =	sshra.s32 s15, $0x2;
	s18 =	sshra.s32 s18, $0x2;
	s23 =	sld [smem:$0x21D];
	[tilespmem:s21+$0xC200] =	vst.add.f32.msk $0xffff, v20;
	v20 =	vmul.f32 v23, v24  }
0xba: {  	s14 =	sshll.u32 s14, $0x6;
	s25 =	sshll.u32 s25, $0x6;
	s26 =	sld [smem:$0x1E]  }
0xbb: {  	s14 =	sshra.s32 s14, $0x2;
	s24 =	sshra.s32 s25, $0x2;
	s11 =	sld [smem:$0x22A];
	[tilespmem:s15+$0xC200] =	vst.add.f32.msk $0xffff, v20;
	v20 =	vperm.xlane v19, v14  }
0xbc: {  	s1 =	sshll.u32 s1, $0x6;
	s0 =	sshll.u32 s0, $0x6;
	v23 =	vld [tilespmem:s24+$0x0];
	s15 =	sld [smem:$0x2B]  }
0xbd: {  	s4 =	sshll.u32 s4, $0x6;
	s21 =	sshll.u32 s23, $0x6;
	v24 =	vld [tilespmem:s18+$0x0];
	v20 =	vmul.f32 v20, v21;
	s24 =	sld [smem:$0x235];
	v21 =	vperm.xlane v18, v13  }
0xbe: {  	s0 =	sshra.s32 s0, $0x2;
	s18 =	sshra.s32 s21, $0x2;
	s23 =	sshll.u32 s26, $0x6  }
0xbf: {  	s4 =	sshra.s32 s4, $0x2;
	s21 =	sld [smem:$0x36];
	s26 =	sshra.s32 s23, $0x2;
	[tilespmem:s18+$0xC200] =	vst.add.f32.msk $0xffff, v20;
	v20 =	vmul.f32 v21, v22;
	v22 =	vperm.xlane v17, v6  }
0xc0: {  	s23 =	sshll.u32 s2, $0x6;
	s25 =	sld [smem:$0x22B];
	v21 =	vld [tilespmem:s26+$0x0];
	s18 =	sshll.u32 s24, $0x6  }
0xc1: {  	s24 =	sshra.s32 s1, $0x2;
	s1 =	sshra.s32 s3, $0x2;
	s26 =	sld [smem:$0x2C];
	[tilespmem:s8+$0xC200] =	vst.add.f32.msk $0xffff, v20;
	v20 =	vmul.f32 v22, v23;
	v23 =	vperm.xlane v26, v6  }
0xc2: {  	s8 =	sshra.s32 s18, $0x2;
	s20 =	sshll.u32 s21, $0x6;
	s18 =	sshll.u32 s17, $0x6;
	v22 =	vld [tilespmem:s9+$0x0]  }
0xc3: {  	s17 =	sshll.u32 s19, $0x6;
	s19 =	sshll.u32 s10, $0x6;
	s9 =	sld [smem:$0x21E];
	[tilespmem:s8+$0xC200] =	vst.add.f32.msk $0xffff, v20;
	v20 =	vmul.f32 v23, v24  }
0xc4: {  	s8 =	sshra.s32 s20, $0x2;
	s20 =	sshll.u32 s12, $0x6;
	s21 =	sld [smem:$0x1F]  }
0xc5: {  	s25 =	sshll.u32 s25, $0x6;
	s20 =	sshra.s32 s20, $0x2;
	s29 =	sld [smem:$0x22C];
	[tilespmem:s14+$0xC200] =	vst.add.f32.msk $0xffff, v20;
	v20 =	vperm.xlane v19, v15  }
0xc6: {  	s26 =	sshll.u32 s26, $0x6;
	v23 =	vld [tilespmem:s8+$0x0];
	s14 =	sshra.s32 s23, $0x2;
	s23 =	sshra.s32 s7, $0x2  }
0xc7: {  	s8 =	sshll.u32 s9, $0x6;
	s2 =	sld [smem:$0x2D];
	v24 =	vld [tilespmem:s24+$0x0];
	s24 =	simm.s32 $0x30;
	v20 =	vmul.f32 v20, v21  }
0xc8: {  	s3 =	sshra.s32 s8, $0x2;
	s7 =	sld [smem:$0x236];
	v21 =	vperm.xlane v18, v14;
	s9 =	sshll.u32 s21, $0x6  }
0xc9: {  	s31 =	sld [smem:$0x37];
	[tilespmem:s3+$0xC200] =	vst.add.f32.msk $0xffff, v20;
	s3 =	sshra.s32 s9, $0x2;
	s9 =	sshll.u32 s16, $0x6  }
0xca: {  	v21 =	vmul.f32 v21, v22;
	s16 =	sshll.u32 s13, $0x6;
	s2 =	sshll.u32 s2, $0x6;
	s21 =	sld [smem:$0x22D]  }
0xcb: {  	v20 =	vld [tilespmem:s3+$0x0];
	s3 =	sshra.s32 s18, $0x2;
	s9 =	sshra.s32 s9, $0x2;
	s8 =	sshra.s32 s16, $0x2  }
0xcc: {  	s16 =	sshra.s32 s17, $0x2;
	s18 =	sshll.u32 s7, $0x6;
	s12 =	sld [smem:$0x2E];
	[tilespmem:s6+$0xC200] =	vst.add.f32.msk $0xffff, v21;
	v21 =	vperm.xlane v17, v7  }
0xcd: {  	s7 =	sshll.u32 s11, $0x6;
	s2 =	sshra.s32 s2, $0x2;
	s11 =	sshll.u32 s31, $0x6  }
0xce: {  	v22 =	vperm.xlane v26, v7;
	s6 =	sshra.s32 s7, $0x2;
	v29 =	vld [tilespmem:s5+$0x0];
	s13 =	sld [smem:$0x21F];
	s5 =	sshra.s32 s18, $0x2;
	v21 =	vmul.f32 v21, v23  }
0xcf: {  	s18 =	sshra.s32 s19, $0x2;
	s17 =	sshra.s32 s11, $0x2;
	s19 =	sshll.u32 s15, $0x6  }
0xd0: {  	s15 =	sshll.u32 s29, $0x6;
	s10 =	sld [smem:$0x22E];
	s7 =	sshra.s32 s19, $0x2;
	[tilespmem:s5+$0xC200] =	vst.add.f32.msk $0xffff, v21;
	v21 =	vmul.f32 v22, v24  }
0xd1: {  	v31 =	vperm.xlane v17, v8;
	v27 =	vperm.xlane v26, v8;
	s19 =	sshra.s32 s25, $0x2;
	s31 =	sshra.s32 s15, $0x2;
	s11 =	sld [smem:$0x2F];
	v30 =	vld [tilespmem:s17+$0x0]  }
0xd2: {  	v25 =	vperm.xlane v26, v9;
	v19 =	vperm.xlane v19, v16;
	s21 =	sshll.u32 s21, $0x6;
	s25 =	sshll.u32 s12, $0x6;
	s5 =	sshra.s32 s26, $0x2;
	[tilespmem:s0+$0xC200] =	vst.add.f32.msk $0xffff, v21  }
0xd3: {  	v23 =	vperm.xlane v26, v11;
	s26 =	sshra.s32 s21, $0x2;
	s29 =	sshra.s32 s25, $0x2;
	v21 =	vperm.xlane v18, v15;
	s17 =	sld [smem:$0x22F]  }
0xd4: {  	v24 =	vperm.xlane v26, v10;
	v19 =	vmul.f32 v19, v20;
	s12 =	sshll.u32 s13, $0x6;
	s10 =	sshll.u32 s10, $0x6;
	v28 =	vld [tilespmem:s4+$0x0];
	s4 =	sld [smem:$0x237]  }
0xd5: {  	v22 =	vperm.xlane v26, v12;
	s0 =	sshra.s32 s12, $0x2;
	s25 =	sshra.s32 s10, $0x2;
	v29 =	vmul.f32 v21, v29;
	s12 =	sld [smem:$0x38]  }
0xd6: {  	v20 =	vperm.xlane v26, v14;
	v18 =	vperm.xlane v18, v16;
	s13 =	sshll.u32 s11, $0x6;
	s11 =	simm.s32 $0x50;
	[tilespmem:s0+$0xC200] =	vst.add.f32.msk $0xffff, v19;
	s17 =	sshll.u32 s17, $0x6  }
0xd7: {  	v21 =	vperm.xlane v26, v13;
	s0 =	sshra.s32 s13, $0x2;
	[tilespmem:s14+$0xC200] =	vst.add.f32.msk $0xffff, v29;
	v30 =	vmul.f32 v31, v30;
	s21 =	sshll.u32 s4, $0x6;
	s4 =	sshra.s32 s17, $0x2  }
0xd8: {  	v19 =	vperm.xlane v26, v15;
	v26 =	vperm.xlane v26, v16;
	v29 =	vld [tilespmem:s1+$0x0];
	s10 =	sshra.s32 s21, $0x2;
	s13 =	sshll.u32 s12, $0x6;
	s12 =	simm.s32 $0x230  }
.LBB2_10:
0xd9: {  	s1 =	sld [smem:s11+$0x0];
	s30 =	sadd.s32 $0x2, s30;
	v27 =	vmul.f32 v27, v28;
	[tilespmem:s10+$0xC200] =	vst.add.f32.msk $0xffff, v30;
	s10 =	sshra.s32 s13, $0x2  }
0xda: {  	s17 =	smov.u32 s0;
	s13 =	sld [smem:s11+$0xFFFFFFF0];
	p2 =	slt.u32 s30, $0x1E;
	v30 =	vld [tilespmem:s10+$0x0]  }
0xdb: {  	s22 =	sadd.s32 $0x20, s22;
	s10 =	smov.u32 s24;
	s0 =	sld [smem:s11+$0xFFFFFFF1];
	[tilespmem:s3+$0xC200] =	vst.add.f32.msk $0xffff, v27  }
0xdc: {  	s24 =	smov.u32 s11;
	v28 =	vld [tilespmem:s22+$0x0];
	s1 =	sshll.u32 s1, $0x6;
	s3 =	sld [smem:s28+$0x8]  }
0xdd: {  	v27 =	vperm.xlane v17, v9;
	v37 =	vld [tilespmem:s22+$0xFFFFFFF0];
	s13 =	sshll.u32 s13, $0x6;
	s1 =	sshra.s32 s1, $0x2;
	s14 =	sld [smem:s10+$0x9];
	v29 =	vmul.f32 v18, v29;
	v18 =	vmov v26  }
0xde: {  	s13 =	sshra.s32 s13, $0x2;
	s0 =	sshll.u32 s0, $0x6;
	s15 =	sld [smem:s11+$0xFFFFFFF2];
	v26 =	vld [tilespmem:s1+$0x0]  }
0xdf: {  	s28 =	sadd.s32 $0x20, s28;
	v31 =	vld [tilespmem:s13+$0x0];
	s1 =	sshra.s32 s0, $0x2;
	v27 =	vmul.f32 v27, v30;
	s0 =	sshll.u32 s3, $0x6  }
0xe0: {  	s3 =	sld [smem:s28+$0x0];
	v30 =	vld [tilespmem:s20+$0x0];
	s0 =	sshra.s32 s0, $0x2;
	s13 =	sshll.u32 s14, $0x6  }
0xe1: {  	s14 =	sshll.u32 s15, $0x6;
	v32 =	vperm.xlane v28, v1;
	s15 =	sld [smem:s11+$0x1];
	[tilespmem:s0+$0xC200] =	vst.add.f32.msk $0xffff, v27;
	s13 =	sshra.s32 s13, $0x2  }
0xe2: {  	v27 =	vperm.xlane v37, v1;
	s20 =	sld [smem:s28+$0xFFFFFFF0];
	v38 =	vperm.xlane v37, v2;
	s0 =	sshra.s32 s14, $0x2;
	v34 =	vld [tilespmem:s13+$0x0]  }
0xe3: {  	v39 =	vperm.xlane v37, v3;
	s13 =	sld [smem:s28+$0xFFFFFFF1];
	v26 =	vmul.f32 v32, v26;
	s3 =	sshll.u32 s3, $0x6;
	[tilespmem:s23+$0xC200] =	vst.add.f32.msk $0xffff, v29;
	s23 =	smov.u32 s4  }
0xe4: {  	v35 =	vperm.xlane v37, v4;
	v27 =	vmul.f32 v27, v31;
	s3 =	sshra.s32 s3, $0x2;
	s4 =	sshll.u32 s15, $0x6;
	s14 =	sld [smem:s12+$0x9]  }
0xe5: {  	v33 =	vperm.xlane v37, v5;
	s15 =	sshll.u32 s20, $0x6;
	[tilespmem:s3+$0xC200] =	vst.add.f32.msk $0xffff, v26;
	s3 =	sshra.s32 s4, $0x2;
	v26 =	vperm.xlane v17, v10;
	s4 =	sld [smem:s10+$0xA]  }
0xe6: {  	v29 =	vperm.xlane v37, v7;
	v31 =	vperm.xlane v37, v6;
	s15 =	sshra.s32 s15, $0x2;
	s13 =	sshll.u32 s13, $0x6;
	s20 =	sld [smem:s28+$0xFFFFFFF2];
	v32 =	vld [tilespmem:s3+$0x0]  }
0xe7: {  	[tilespmem:s15+$0xC200] =	vst.add.f32.msk $0xffff, v27;
	s13 =	sshra.s32 s13, $0x2;
	s15 =	sld [smem:s11+$0xFFFFFFF3];
	v27 =	vperm.xlane v37, v8;
	v26 =	vmul.f32 v26, v34;
	s3 =	sshll.u32 s14, $0x6  }
0xe8: {  	v30 =	vmul.f32 v25, v30;
	v25 =	vperm.xlane v37, v9;
	v40 =	vld [tilespmem:s1+$0x0];
	s1 =	sld [smem:s28+$0x1];
	s3 =	sshra.s32 s3, $0x2;
	s4 =	sshll.u32 s4, $0x6  }
0xe9: {  	v42 =	vperm.xlane v28, v2;
	v41 =	vperm.xlane v37, v10;
	s14 =	sshll.u32 s20, $0x6;
	s20 =	sld [smem:s11+$0x2];
	[tilespmem:s3+$0xC200] =	vst.add.f32.msk $0xffff, v26;
	s4 =	sshra.s32 s4, $0x2  }
0xea: {  	v43 =	vperm.xlane v37, v11;
	v36 =	vperm.xlane v37, v12;
	s3 =	sshra.s32 s14, $0x2;
	s14 =	sshll.u32 s15, $0x6;
	s15 =	sld [smem:s28+$0xFFFFFFF3];
	v44 =	vld [tilespmem:s4+$0x0]  }
0xeb: {  	v34 =	vperm.xlane v37, v13;
	s4 =	sshra.s32 s14, $0x2;
	s14 =	sld [smem:s11+$0xFFFFFFF4];
	v26 =	vmul.f32 v42, v32;
	s1 =	sshll.u32 s1, $0x6;
	[tilespmem:s9+$0xC200] =	vst.add.f32.msk $0xffff, v30  }
0xec: {  	v32 =	vperm.xlane v37, v14;
	v30 =	vperm.xlane v37, v15;
	s1 =	sshra.s32 s1, $0x2;
	s9 =	sshll.u32 s20, $0x6;
	v42 =	vld [tilespmem:s8+$0x0];
	s20 =	sld [smem:s12+$0xA]  }
0xed: {  	v38 =	vmul.f32 v38, v40;
	s8 =	sshll.u32 s15, $0x6;
	[tilespmem:s1+$0xC200] =	vst.add.f32.msk $0xffff, v26;
	s1 =	sshra.s32 s9, $0x2;
	v40 =	vperm.xlane v17, v11;
	s15 =	sld [smem:s10+$0xB]  }
0xee: {  	v26 =	vperm.xlane v37, v16;
	s8 =	sshra.s32 s8, $0x2;
	s9 =	sshll.u32 s14, $0x6;
	s14 =	sld [smem:s28+$0xFFFFFFF4];
	v37 =	vld [tilespmem:s1+$0x0]  }
0xef: {  	[tilespmem:s13+$0xC200] =	vst.add.f32.msk $0xffff, v38;
	s9 =	sshra.s32 s9, $0x2;
	s1 =	sld [smem:s11+$0xFFFFFFF5];
	v38 =	vmul.f32 v40, v44;
	s13 =	sshll.u32 s20, $0x6  }
0xf0: {  	v40 =	vld [tilespmem:s0+$0x0];
	s0 =	sld [smem:s28+$0x2];
	s13 =	sshra.s32 s13, $0x2;
	s15 =	sshll.u32 s15, $0x6  }
0xf1: {  	v44 =	vperm.xlane v28, v3;
	s14 =	sshll.u32 s14, $0x6;
	s20 =	sld [smem:s11+$0x3];
	v42 =	vmul.f32 v24, v42;
	[tilespmem:s13+$0xC200] =	vst.add.f32.msk $0xffff, v38;
	s15 =	sshra.s32 s15, $0x2;
	v24 =	vmov v41  }
0xf2: {  	s13 =	sshra.s32 s14, $0x2;
	s1 =	sshll.u32 s1, $0x6;
	s14 =	sld [smem:s28+$0xFFFFFFF5];
	v38 =	vld [tilespmem:s15+$0x0]  }
0xf3: {  	s15 =	sshra.s32 s1, $0x2;
	s21 =	sld [smem:s11+$0xFFFFFFF6];
	v37 =	vmul.f32 v44, v37;
	s0 =	sshll.u32 s0, $0x6;
	[tilespmem:s16+$0xC200] =	vst.add.f32.msk $0xffff, v42  }
0xf4: {  	s0 =	sshra.s32 s0, $0x2;
	s1 =	sshll.u32 s20, $0x6;
	v41 =	vld [tilespmem:s18+$0x0];
	s16 =	sld [smem:s12+$0xB]  }
0xf5: {  	v39 =	vmul.f32 v39, v40;
	s14 =	sshll.u32 s14, $0x6;
	[tilespmem:s0+$0xC200] =	vst.add.f32.msk $0xffff, v37;
	s0 =	sshra.s32 s1, $0x2;
	v37 =	vperm.xlane v17, v12;
	s18 =	sld [smem:s10+$0xC]  }
0xf6: {  	s1 =	sshra.s32 s14, $0x2;
	s14 =	sshll.u32 s21, $0x6;
	s20 =	sld [smem:s28+$0xFFFFFFF6];
	v40 =	vld [tilespmem:s0+$0x0]  }
0xf7: {  	[tilespmem:s3+$0xC200] =	vst.add.f32.msk $0xffff, v39;
	s14 =	sshra.s32 s14, $0x2;
	s3 =	sld [smem:s11+$0xFFFFFFF7];
	v37 =	vmul.f32 v37, v38;
	s0 =	sshll.u32 s16, $0x6  }
0xf8: {  	v38 =	vld [tilespmem:s4+$0x0];
	s16 =	sld [smem:s28+$0x3];
	s0 =	sshra.s32 s0, $0x2;
	s4 =	sshll.u32 s18, $0x6  }
0xf9: {  	v39 =	vperm.xlane v28, v4;
	s18 =	sshll.u32 s20, $0x6;
	s20 =	sld [smem:s11+$0x4];
	v41 =	vmul.f32 v23, v41;
	[tilespmem:s0+$0xC200] =	vst.add.f32.msk $0xffff, v37;
	s4 =	sshra.s32 s4, $0x2;
	v23 =	vmov v43  }
0xfa: {  	s0 =	sshra.s32 s18, $0x2;
	s3 =	sshll.u32 s3, $0x6;
	s18 =	sld [smem:s28+$0xFFFFFFF7];
	v37 =	vld [tilespmem:s4+$0x0]  }
0xfb: {  	s4 =	sshra.s32 s3, $0x2;
	s21 =	sld [smem:s11+$0xFFFFFFF8];
	v39 =	vmul.f32 v39, v40;
	s3 =	sshll.u32 s16, $0x6;
	[tilespmem:s6+$0xC200] =	vst.add.f32.msk $0xffff, v41  }
0xfc: {  	s3 =	sshra.s32 s3, $0x2;
	s6 =	sshll.u32 s20, $0x6;
	v40 =	vld [tilespmem:s7+$0x0];
	s7 =	sld [smem:s12+$0xC]  }
0xfd: {  	v35 =	vmul.f32 v35, v38;
	s16 =	sshll.u32 s18, $0x6;
	[tilespmem:s3+$0xC200] =	vst.add.f32.msk $0xffff, v39;
	s6 =	sshra.s32 s6, $0x2;
	v38 =	vperm.xlane v17, v13;
	s18 =	sld [smem:s10+$0xD]  }
0xfe: {  	s3 =	sshra.s32 s16, $0x2;
	s16 =	sshll.u32 s21, $0x6;
	s21 =	sld [smem:s28+$0xFFFFFFF8];
	v39 =	vld [tilespmem:s6+$0x0]  }
0xff: {  	[tilespmem:s8+$0xC200] =	vst.add.f32.msk $0xffff, v35;
	s20 =	sshra.s32 s16, $0x2;
	s6 =	sld [smem:s11+$0xFFFFFFF9];
	v35 =	vmul.f32 v38, v37;
	s7 =	sshll.u32 s7, $0x6  }
0x100: {  	v37 =	vld [tilespmem:s9+$0x0];
	s16 =	sld [smem:s28+$0x4];
	s7 =	sshra.s32 s7, $0x2;
	s8 =	sshll.u32 s18, $0x6  }
0x101: {  	v38 =	vperm.xlane v28, v5;
	s9 =	sshll.u32 s21, $0x6;
	s18 =	sld [smem:s11+$0x5];
	v40 =	vmul.f32 v22, v40;
	[tilespmem:s7+$0xC200] =	vst.add.f32.msk $0xffff, v35;
	s7 =	sshra.s32 s8, $0x2;
	v22 =	vmov v36  }
0x102: {  	s9 =	sshra.s32 s9, $0x2;
	s6 =	sshll.u32 s6, $0x6;
	s21 =	sld [smem:s28+$0xFFFFFFF9];
	v35 =	vld [tilespmem:s7+$0x0]  }
0x103: {  	s8 =	sshra.s32 s6, $0x2;
	s6 =	sld [smem:s11+$0xFFFFFFFA];
	v36 =	vmul.f32 v38, v39;
	s7 =	sshll.u32 s16, $0x6;
	[tilespmem:s19+$0xC200] =	vst.add.f32.msk $0xffff, v40  }
0x104: {  	s7 =	sshra.s32 s7, $0x2;
	s16 =	sshll.u32 s18, $0x6;
	v38 =	vld [tilespmem:s5+$0x0];
	s5 =	sld [smem:s12+$0xD]  }
0x105: {  	v33 =	vmul.f32 v33, v37;
	s18 =	sshll.u32 s21, $0x6;
	[tilespmem:s7+$0xC200] =	vst.add.f32.msk $0xffff, v36;
	s7 =	sshra.s32 s16, $0x2;
	v36 =	vperm.xlane v17, v14;
	s19 =	sld [smem:s10+$0xE]  }
0x106: {  	s16 =	sshra.s32 s18, $0x2;
	s6 =	sshll.u32 s6, $0x6;
	s21 =	sld [smem:s28+$0xFFFFFFFA];
	v37 =	vld [tilespmem:s7+$0x0]  }
0x107: {  	[tilespmem:s13+$0xC200] =	vst.add.f32.msk $0xffff, v33;
	s18 =	sshra.s32 s6, $0x2;
	s7 =	sld [smem:s11+$0xFFFFFFFB];
	v33 =	vmul.f32 v36, v35;
	s5 =	sshll.u32 s5, $0x6  }
0x108: {  	v35 =	vld [tilespmem:s15+$0x0];
	s13 =	sld [smem:s28+$0x5];
	s5 =	sshra.s32 s5, $0x2;
	s6 =	sshll.u32 s19, $0x6  }
0x109: {  	v36 =	vperm.xlane v28, v6;
	s15 =	sshll.u32 s21, $0x6;
	s19 =	sld [smem:s11+$0x6];
	v38 =	vmul.f32 v21, v38;
	[tilespmem:s5+$0xC200] =	vst.add.f32.msk $0xffff, v33;
	s5 =	sshra.s32 s6, $0x2;
	v21 =	vmov v34  }
0x10a: {  	s6 =	sshra.s32 s15, $0x2;
	s7 =	sshll.u32 s7, $0x6;
	s15 =	sld [smem:s28+$0xFFFFFFFB];
	v33 =	vld [tilespmem:s5+$0x0]  }
0x10b: {  	s7 =	sshra.s32 s7, $0x2;
	s5 =	sld [smem:s11+$0xFFFFFFFC];
	v34 =	vmul.f32 v36, v37;
	s13 =	sshll.u32 s13, $0x6;
	[tilespmem:s31+$0xC200] =	vst.add.f32.msk $0xffff, v38  }
0x10c: {  	s13 =	sshra.s32 s13, $0x2;
	s19 =	sshll.u32 s19, $0x6;
	v36 =	vld [tilespmem:s2+$0x0];
	s2 =	sld [smem:s12+$0xE]  }
0x10d: {  	v31 =	vmul.f32 v31, v35;
	s15 =	sshll.u32 s15, $0x6;
	[tilespmem:s13+$0xC200] =	vst.add.f32.msk $0xffff, v34;
	s13 =	sshra.s32 s19, $0x2;
	v34 =	vperm.xlane v17, v15;
	s10 =	sld [smem:s10+$0xF]  }
0x10e: {  	s19 =	sshra.s32 s15, $0x2;
	s5 =	sshll.u32 s5, $0x6;
	s15 =	sld [smem:s28+$0xFFFFFFFC];
	v35 =	vld [tilespmem:s13+$0x0]  }
0x10f: {  	[tilespmem:s1+$0xC200] =	vst.add.f32.msk $0xffff, v31;
	s5 =	sshra.s32 s5, $0x2;
	s1 =	sld [smem:s11+$0xFFFFFFFD];
	v31 =	vmul.f32 v34, v33;
	s2 =	sshll.u32 s2, $0x6  }
0x110: {  	v33 =	vld [tilespmem:s14+$0x0];
	s13 =	sld [smem:s28+$0x6];
	s2 =	sshra.s32 s2, $0x2;
	s10 =	sshll.u32 s10, $0x6  }
0x111: {  	v34 =	vperm.xlane v28, v7;
	s14 =	sshll.u32 s15, $0x6;
	s15 =	sld [smem:s11+$0x7];
	v36 =	vmul.f32 v20, v36;
	[tilespmem:s2+$0xC200] =	vst.add.f32.msk $0xffff, v31;
	s2 =	sshra.s32 s10, $0x2;
	v20 =	vmov v32  }
0x112: {  	s31 =	sshra.s32 s14, $0x2;
	s1 =	sshll.u32 s1, $0x6;
	s10 =	sld [smem:s28+$0xFFFFFFFD];
	v31 =	vld [tilespmem:s2+$0x0]  }
0x113: {  	s2 =	sshra.s32 s1, $0x2;
	s1 =	sld [smem:s11+$0xFFFFFFFE];
	v32 =	vmul.f32 v34, v35;
	s13 =	sshll.u32 s13, $0x6;
	[tilespmem:s26+$0xC200] =	vst.add.f32.msk $0xffff, v36  }
0x114: {  	s13 =	sshra.s32 s13, $0x2;
	s14 =	sshll.u32 s15, $0x6;
	v34 =	vld [tilespmem:s29+$0x0];
	s12 =	sld [smem:s12+$0xF]  }
0x115: {  	v29 =	vmul.f32 v29, v33;
	s10 =	sshll.u32 s10, $0x6;
	s15 =	sld [smem:s28+$0xFFFFFFFE];
	[tilespmem:s13+$0xC200] =	vst.add.f32.msk $0xffff, v32;
	s13 =	sshra.s32 s14, $0x2;
	v32 =	vperm.xlane v17, v16;
	v17 =	vmov v28  }
0x116: {  	s26 =	sshra.s32 s10, $0x2;
	s1 =	sshll.u32 s1, $0x6;
	s10 =	sld [smem:s11+$0xFFFFFFFF];
	v33 =	vld [tilespmem:s13+$0x0]  }
0x117: {  	[tilespmem:s0+$0xC200] =	vst.add.f32.msk $0xffff, v29;
	s29 =	sshra.s32 s1, $0x2;
	s1 =	sld [smem:s28+$0xFFFFFFFF];
	v29 =	vmul.f32 v32, v31;
	s0 =	sshll.u32 s12, $0x6  }
0x118: {  	v28 =	vld [tilespmem:s4+$0x0];
	s4 =	sshll.u32 s15, $0x6  }
.Ltmp4:
0x119: {  	s13 =	sld [smem:s28+$0x7];
	s0 =	sshra.s32 s0, $0x2;
	(pc) =	sbr.rel @p2 .LBB2_10-.Ltmp4, $4  }
0x11a: {  	v31 =	vperm.xlane v17, v8;
	s14 =	sshra.s32 s4, $0x2;
	s4 =	sshll.u32 s10, $0x6;
	s15 =	sld [smem:s11+$0x8];
	v32 =	vmul.f32 v19, v34;
	[tilespmem:s0+$0xC200] =	vst.add.f32.msk $0xffff, v29;
	v19 =	vmov v30  }
0x11b: {  	s12 =	smov.u32 s28;
	s0 =	sshra.s32 s4, $0x2;
	s1 =	sshll.u32 s1, $0x6  }
0x11c: {  	s4 =	sshra.s32 s1, $0x2;
	v30 =	vmul.f32 v31, v33;
	s1 =	sshll.u32 s13, $0x6;
	[tilespmem:s25+$0xC200] =	vst.add.f32.msk $0xffff, v32;
	s25 =	smov.u32 s14  }
0x11d: {  	s11 =	sadd.s32 $0x20, s11;
	s10 =	sshra.s32 s1, $0x2;
	s13 =	sshll.u32 s15, $0x6;
	v29 =	vld [tilespmem:s17+$0x0]  }
0x11e: {  	v27 =	vmul.f32 v27, v28;
	[tilespmem:s10+$0xC200] =	vst.add.f32.msk $0xffff, v30;
	s1 =	sshra.s32 s13, $0x2  }
0x11f: {  	v49 =	vld [tilespmem:s1+$0x0]  }
0x120: {  	[tilespmem:s3+$0xC200] =	vst.add.f32.msk $0xffff, v27  }
0x121: {  	s21 =	sld [smem:s28+$0x8];
	v51 =	vld [tilespmem:s20+$0x0]  }
0x122: {  	v50 =	vperm.xlane v17, v9;
	s3 =	sld [smem:s24+$0x9];
	_ =	sdelay $0x1  }
0x123: {  	v27 =	vmul.f32 v50, v49;
	s1 =	sshll.u32 s21, $0x6  }
0x124: {  	s3 =	sshll.u32 s3, $0x6;
	s1 =	sshra.s32 s1, $0x2  }
0x125: {  	s22 =	sshra.s32 s3, $0x2;
	[tilespmem:s1+$0xC200] =	vst.add.f32.msk $0xffff, v27;
	v25 =	vmul.f32 v25, v51  }
0x126: {  	v27 =	vld [tilespmem:s22+$0x0];
	s28 =	sld [smem:s12+$0x9]  }
0x127: {  	s30 =	sld [smem:s24+$0xA];
	[tilespmem:s9+$0xC200] =	vst.add.f32.msk $0xffff, v25  }
0x128: {  	v53 =	vld [tilespmem:s8+$0x0]  }
0x129: {  	v52 =	vperm.xlane v17, v10;
	_ =	sdelay $0x1  }
0x12a: {  	s1 =	sshll.u32 s28, $0x6;
	v25 =	vmul.f32 v52, v27  }
0x12b: {  	s3 =	sshll.u32 s30, $0x6;
	s1 =	sshra.s32 s1, $0x2  }
0x12c: {  	s3 =	sshra.s32 s3, $0x2;
	[tilespmem:s1+$0xC200] =	vst.add.f32.msk $0xffff, v25;
	v24 =	vmul.f32 v24, v53  }
0x12d: {  	v25 =	vld [tilespmem:s3+$0x0];
	s8 =	sld [smem:s12+$0xA]  }
0x12e: {  	s9 =	sld [smem:s24+$0xB];
	[tilespmem:s16+$0xC200] =	vst.add.f32.msk $0xffff, v24  }
0x12f: {  	v55 =	vld [tilespmem:s18+$0x0]  }
0x130: {  	v54 =	vperm.xlane v17, v11;
	_ =	sdelay $0x1  }
0x131: {  	s1 =	sshll.u32 s8, $0x6;
	v24 =	vmul.f32 v54, v25  }
0x132: {  	s3 =	sshll.u32 s9, $0x6;
	s1 =	sshra.s32 s1, $0x2  }
0x133: {  	s10 =	sshra.s32 s3, $0x2;
	[tilespmem:s1+$0xC200] =	vst.add.f32.msk $0xffff, v24;
	v23 =	vmul.f32 v23, v55  }
0x134: {  	v24 =	vld [tilespmem:s10+$0x0];
	s11 =	sld [smem:s12+$0xB]  }
0x135: {  	s13 =	sld [smem:s24+$0xC];
	[tilespmem:s6+$0xC200] =	vst.add.f32.msk $0xffff, v23  }
0x136: {  	v57 =	vld [tilespmem:s7+$0x0]  }
0x137: {  	v56 =	vperm.xlane v17, v12;
	_ =	sdelay $0x1  }
0x138: {  	s1 =	sshll.u32 s11, $0x6;
	v23 =	vmul.f32 v56, v24  }
0x139: {  	s3 =	sshll.u32 s13, $0x6;
	s1 =	sshra.s32 s1, $0x2  }
0x13a: {  	s14 =	sshra.s32 s3, $0x2;
	[tilespmem:s1+$0xC200] =	vst.add.f32.msk $0xffff, v23;
	v22 =	vmul.f32 v22, v57  }
0x13b: {  	v23 =	vld [tilespmem:s14+$0x0];
	s15 =	sld [smem:s12+$0xC]  }
0x13c: {  	s16 =	sld [smem:s24+$0xD];
	[tilespmem:s19+$0xC200] =	vst.add.f32.msk $0xffff, v22  }
0x13d: {  	v59 =	vld [tilespmem:s5+$0x0]  }
0x13e: {  	v58 =	vperm.xlane v17, v13;
	_ =	sdelay $0x1  }
0x13f: {  	s1 =	sshll.u32 s15, $0x6;
	v22 =	vmul.f32 v58, v23  }
0x140: {  	s3 =	sshll.u32 s16, $0x6;
	s1 =	sshra.s32 s1, $0x2  }
0x141: {  	s17 =	sshra.s32 s3, $0x2;
	[tilespmem:s1+$0xC200] =	vst.add.f32.msk $0xffff, v22;
	v21 =	vmul.f32 v21, v59  }
0x142: {  	v22 =	vld [tilespmem:s17+$0x0];
	s18 =	sld [smem:s12+$0xD]  }
0x143: {  	s19 =	sld [smem:s24+$0xE];
	[tilespmem:s31+$0xC200] =	vst.add.f32.msk $0xffff, v21  }
0x144: {  	v61 =	vld [tilespmem:s2+$0x0]  }
0x145: {  	v60 =	vperm.xlane v17, v14;
	_ =	sdelay $0x1  }
0x146: {  	s1 =	sshll.u32 s18, $0x6;
	v21 =	vmul.f32 v60, v22  }
0x147: {  	s20 =	sshll.u32 s19, $0x6;
	s1 =	sshra.s32 s1, $0x2  }
0x148: {  	s21 =	sshra.s32 s20, $0x2;
	[tilespmem:s1+$0xC200] =	vst.add.f32.msk $0xffff, v21;
	v20 =	vmul.f32 v20, v61  }
0x149: {  	s22 =	sld [smem:s12+$0xE];
	v21 =	vld [tilespmem:s21+$0x0]  }
0x14a: {  	s28 =	sld [smem:s24+$0xF];
	[tilespmem:s26+$0xC200] =	vst.add.f32.msk $0xffff, v20  }
0x14b: {  	v20 =	vld [tilespmem:s29+$0x0]  }
0x14c: {  	v62 =	vperm.xlane v17, v15  }
0x14d: {  	v18 =	vmul.f32 v18, v29  }
0x14e: {  	s2 =	sshll.u32 s22, $0x6;
	v21 =	vmul.f32 v62, v21  }
0x14f: {  	[tilespmem:s23+$0xC200] =	vst.add.f32.msk $0xffff, v18;
	s1 =	sshll.u32 s28, $0x6;
	s2 =	sshra.s32 s2, $0x2  }
0x150: {  	s1 =	sshra.s32 s1, $0x2;
	[tilespmem:s2+$0xC200] =	vst.add.f32.msk $0xffff, v21;
	v19 =	vmul.f32 v19, v20  }
0x151: {  	v63 =	vld [tilespmem:s1+$0x0]  }
0x152: {  	s30 =	sld [smem:s12+$0xF];
	[tilespmem:s25+$0xC200] =	vst.add.f32.msk $0xffff, v19  }
0x153: {  	v19 =	vld [tilespmem:s0+$0x0];
	s2 =	rddreg [dreg:$0xf]  }
0x154: {  	s2 =	sadd.s32 $0x1, s2  }
0x155: {  	v17 =	vperm.xlane v17, v16;
	p2 =	sne.s32 s2, $0x60  }
.Ltmp5:
0x156: {  	_ = 	snop;
	(pc) =	sbr.rel @p2 .LBB2_9-.Ltmp5, $4  }
0x157: {  	s31 =	sshll.u32 s30, $0x6;
	v17 =	vmul.f32 v17, v63  }
0x158: {  	s0 =	sshra.s32 s31, $0x2;
	v18 =	vmul.f32 v26, v19  }
0x159: {  	[tilespmem:s0+$0xC200] =	vst.add.f32.msk $0xffff, v17  }
0x15a: {  	s3 =	simm.s32 $0x1;
	[tilespmem:s4+$0xC200] =	vst.add.f32.msk $0xffff, v18  }
0x15b: {  	s0 =	rddreg [dreg:$0xb]  }
0x15c: {  	s1 =	simm.s32 $0x10;
	s2 =	simm.s32 $0x40;
	s4 =	simm.s32 $0xC200  }
0x15d: {  	[hbm4b:s0+s1] =	stream.strided.scatter [tilespmem:s4], [sflag:$0x1], $0xC000, s2, s1, $0x38;
	[tilespmem:$0x1A600] =	vst v63  }
0x15e: {  	_ =	swait.ge [sflag:s3], $0xC000  }
0x15f: {  	s30 =	rddreg [dreg:$0xe]  }
0x160: {  	s31 =	rddreg [dreg:$0xc];
	s1 =	sadd.s32 $0x1, s30  }
0x161: {  	p2 =	sne.s32 s1, s31  }
.Ltmp6:
0x162: {  	_ = 	snop;
	(pc) =	sbr.rel @p2 .LBB2_1-.Ltmp6, $3  }
0x163: {  	_ =	sdelay $0x1  }
0x164: {  	[sflag:s3] =	ssyncset.done $0x0  }
0x165: {  	[sflag:s3] =	ssyncadd.s32 $0xFFFF4000  }
0x166: {  	_ =	sfence.sel $0x180000  }
0x167: {  	[bflag:$0x0] =	sbarrier.arrive $0xFFFF  }
0x168: {  	_ =	strace $0x90000047  }
0x169: {  	[bflag:$0x2] =	sbarrier.arrive $0xFFFF  }
0x16a: {  	s0 =	rddreg [dreg:$0x6]  }
0x16b: {  	s0 =	sadd.s32 @!p1 $0x100000, s0  }
0x16c: {  	[sflag:s0] =	ssyncadd.tile.s32 @!p1 $0x1;
	_ =	shalt  }
.Lfunc_end2:
_tile_overlayer_lowered:
.L_overlay_start_2:
0x16d: {  	(tag) =	ssettag $0x2  }
0x16e: {  	s0 =	rddreg [dreg:$0x0];
	s2 =	stileid.u32  }
0x16f: {  	s1 =	rddreg [dreg:$0x1];
	p0 =	sne.s32 s2, $0x0  }
0x170: {  	s3 =	rddreg [dreg:$0x2];
	[bflag:$0x3] =	sbarrier.arrive $0xFFFF;
	s2 =	simm.s32 @!p0 $0x1C01  }
0x171: {  	[timem:s3], [sflag:s2] =	dma.local @!p0 [hbm:s0], s1  }
0x172: {  	s0 =	simm.s32 @!p0 $0x1  }
0x173: {  	_ =	swait.ge @!p0 [sflag:s0], s1  }
0x174: {  	s1 =	ssub.s32 @!p0 $0x0, s1;
	[sflag:s0] =	ssyncset.done @!p0 $0x0  }
0x175: {  	[sflag:s0] =	ssyncadd.s32 @!p0 s1  }
0x176: {  	[bflag:$0x3] =	sbarrier.arrive $0xFFFF  }
0x177: {  	_ =	shalt  }

</sc_bundles>
